<compile_context>
chip_gen: v7x
topology: tpu7x:2x2x1
jax: 0.10.2.dev20260603
libtpu: 0.0.44.dev20260713+nightly
codegen_flags: <defaults>
</compile_context>

<pallas_src>
import functools

import jax
import jax.numpy as jnp
from jax import lax
from jax.experimental import pallas as pl
from jax.experimental.pallas import tpu as pltpu
from jax.experimental.pallas import tpu_sc as plsc

N = 819200
L = 6
D = 64
PC = D // 2
ST = PC + 1
ROWS = 2 * 26 + 1000

NC = 2
NS = 16
NW = NC * NS
PER_W = N // NW
CP = 160
NCHUNK = PER_W // CP
NP = NCHUNK // 2
G = CP // 16

TAB_LEN = ROWS * ST
TRI_LEN = 1001 * ST
ZROW = 1000 * ST
MASK_HI = -65536


def _unpack2(x):
    lo = plsc.bitcast(lax.shift_left(x, jnp.full_like(x, 16)), jnp.float32)
    hi = plsc.bitcast(lax.bitwise_and(x, jnp.full_like(x, MASK_HI)),
                      jnp.float32)
    return lo, hi


def _sc_body(fc_h, dg_h, md_h, vl_h, tab_h, t0_h, t1_h, out_h,
             tabv, t0v, t1v, fcv, dgv, mdv, vlv, outv,
             ins0, ins1, outs0, outs1):
    c = lax.axis_index("c")
    s = lax.axis_index("s")
    wid = s * NC + c
    base0 = wid * PER_W

    pltpu.sync_copy(tab_h, tabv)
    pltpu.sync_copy(t0_h, t0v)
    pltpu.sync_copy(t1_h, t1v)

    iot = lax.iota(jnp.int32, 16)
    insems = (ins0, ins1)
    outsems = (outs0, outs1)

    def in_copies(ch, b):
        gb = base0 + ch * CP
        return (
            (fc_h.at[pl.ds(gb, CP)], fcv.at[pl.ds(b * CP, CP)]),
            (dg_h.at[pl.ds(gb * L, CP * L)], dgv.at[pl.ds(b * CP * L, CP * L)]),
            (md_h.at[pl.ds(gb, CP)], mdv.at[pl.ds(b * CP, CP)]),
            (vl_h.at[pl.ds(gb, CP)], vlv.at[pl.ds(b * CP, CP)]),
        )

    def start_in(ch, b):
        for src, dst in in_copies(ch, b):
            pltpu.async_copy(src, dst, insems[b])

    def drain_in(ch, b):
        for src, dst in in_copies(ch, b):
            pltpu.make_async_copy(src, dst, insems[b]).wait()

    def out_copy(ch, b):
        gb = base0 + ch * CP
        return (outv.at[pl.ds(b * CP * D, CP * D)],
                out_h.at[pl.ds(gb * D, CP * D)])

    def compute(b):
        ob_off = b * CP * D

        @plsc.parallel_loop(0, G, unroll=2)
        def group_body(g):
            t0 = b * CP + g * 16
            local = g * 16 + iot
            fc16 = fcv[pl.ds(t0, 16)]
            md16 = mdv[pl.ds(t0, 16)]
            vl16 = vlv[pl.ds(t0, 16)]
            t6 = local * L
            dgslice = dgv.at[pl.ds(b * CP * L, CP * L)]
            d0 = plsc.load_gather(dgslice, [t6])
            d1 = plsc.load_gather(dgslice, [t6 + 1])
            d2 = plsc.load_gather(dgslice, [t6 + 2])
            d3 = plsc.load_gather(dgslice, [t6 + 3])
            d4 = plsc.load_gather(dgslice, [t6 + 4])
            d5 = plsc.load_gather(dgslice, [t6 + 5])
            is_lab = md16 == 2
            zr = jnp.full_like(t6, ZROW)
            rb = fc16 * ST
            b012 = jnp.where(is_lab, zr, ((d0 * 10 + d1) * 10 + d2) * ST)
            b345 = jnp.where(is_lab, zr, ((d3 * 10 + d4) * 10 + d5) * ST)
            ob = local * D
            scale = jnp.where(is_lab, vl16, jnp.ones_like(vl16))
            scale2 = plsc.pack(scale, scale, format=plsc.PackFormat.INTERLEAVED)
            outsl = outv.at[pl.ds(ob_off, CP * D)]
            @plsc.parallel_loop(0, PC, unroll=4)
            def col_body(jp):
                jv = (iot + jp) & (PC - 1)
                bc = plsc.load_gather(tabv, [rb + jv])
                w1 = plsc.load_gather(t0v, [b012 + jv])
                w2 = plsc.load_gather(t1v, [b345 + jv])
                bcb = plsc.bitcast(bc, jnp.bfloat16)
                w1b = plsc.bitcast(w1, jnp.bfloat16)
                w2b = plsc.bitcast(w2, jnp.bfloat16)
                o2 = bcb * scale2 + (w1b + w2b)
                oe, oo = plsc.unpack(o2, format=plsc.PackFormat.INTERLEAVED)
                obe = ob + (jv + jv)
                plsc.store_scatter(outsl, [obe], oe)
                plsc.store_scatter(outsl, [obe + 1], oo)

    start_in(0, 0)
    start_in(1, 1)

    def pair_body(jp, carry):
        for bbuf in (0, 1):
            ch = 2 * jp + bbuf
            drain_in(ch, bbuf)

            @pl.when(jp >= 1)
            def _wait_out():
                src, dst = out_copy(ch - 2, bbuf)
                pltpu.make_async_copy(src, dst, outsems[bbuf]).wait()

            compute(bbuf)
            src, dst = out_copy(ch, bbuf)
            pltpu.async_copy(src, dst, outsems[bbuf])

            @pl.when(jp < NP - 1)
            def _prefetch():
                start_in(ch + 2, bbuf)
        return carry

    lax.fori_loop(0, NP, pair_body, 0)
    for bbuf in (0, 1):
        src, dst = out_copy(NCHUNK - 2 + bbuf, bbuf)
        pltpu.make_async_copy(src, dst, outsems[bbuf]).wait()


@functools.partial(
    pl.kernel,
    out_type=jax.ShapeDtypeStruct((N * D,), jnp.float32),
    mesh=plsc.VectorSubcoreMesh(core_axis_name="c", subcore_axis_name="s"),
    compiler_params=pltpu.CompilerParams(needs_layout_passes=False),
    scratch_types=[
        pltpu.VMEM((TAB_LEN,), jnp.int32),
        pltpu.VMEM((TRI_LEN,), jnp.int32),
        pltpu.VMEM((TRI_LEN,), jnp.int32),
        pltpu.VMEM((2 * CP,), jnp.int32),
        pltpu.VMEM((2 * CP * L,), jnp.int32),
        pltpu.VMEM((2 * CP,), jnp.int32),
        pltpu.VMEM((2 * CP,), jnp.float32),
        pltpu.VMEM((2 * CP * D,), jnp.float32),
        pltpu.SemaphoreType.DMA,
        pltpu.SemaphoreType.DMA,
        pltpu.SemaphoreType.DMA,
        pltpu.SemaphoreType.DMA,
    ],
)
def _sc_kernel(fc_h, dg_h, md_h, vl_h, tab_h, t0_h, t1_h, out_h,
               tabv, t0v, t1v, fcv, dgv, mdv, vlv, outv,
               ins0, ins1, outs0, outs1):
    _sc_body(fc_h, dg_h, md_h, vl_h, tab_h, t0_h, t1_h, out_h,
             tabv, t0v, t1v, fcv, dgv, mdv, vlv, outv,
             ins0, ins1, outs0, outs1)


def _pack_rows(t, pad_rows):
    tb = t.astype(jnp.bfloat16)
    u = lax.bitcast_convert_type(tb, jnp.uint16).astype(jnp.uint32)
    lo = u[:, 0::2]
    hi = u[:, 1::2]
    packed = (lo | (hi << 16)).astype(jnp.int32)
    return jnp.pad(packed, ((0, pad_rows), (0, 1))).reshape(-1)


def kernel(first_char, digits, mods, vals, kappa, first_level_w, integer_w):
    pos_w = 1.0 / (jnp.arange(L, dtype=jnp.float32) + 2.0) ** jnp.asarray(
        kappa, jnp.float32)
    pads = []
    for k in range(2):
        pk = (pos_w[3 * k] * integer_w[:, None, None, :]
              + pos_w[3 * k + 1] * integer_w[None, :, None, :]
              + pos_w[3 * k + 2] * integer_w[None, None, :, :]).reshape(1000, D)
        pads.append(_pack_rows(pk, 1))
    tab = _pack_rows(first_level_w, 0)
    fc = first_char.astype(jnp.int32)
    dg = digits.astype(jnp.int32).reshape(-1)
    md = mods.astype(jnp.int32)
    vl = vals.astype(jnp.float32)
    out = _sc_kernel(fc, dg, md, vl, tab, pads[0], pads[1])
    return out.reshape(N, D)

# --- scband reference (transcript-rebuilt; emitter-appended) ---
"""Pipeline reference for scband-hierarchical-embedding-52475910422728 (READ-ONLY COPY).

The authoritative reference and input builder live on the scoring server;
editing this copy changes nothing except your own understanding.
"""

import jax, jax.numpy as jnp
import numpy as np

N = 819200
L = 6
D = 64
NUM_LAB_TESTS = 1000
FIRST_LVL_ROWS = 2 * 26 + NUM_LAB_TESTS


def setup_inputs(seed: int = 0) -> dict:
    key = jax.random.key(seed)
    k1, k2, k3, k4, k5, k6 = jax.random.split(key, 6)
    # Pre-tokenized hierarchical codes:
    #  - first_char: index of the top-level character (ICD/ATC letter offset, or lab-test id)
    #  - digits: the remaining L digit characters of the code, each in [0, 10)
    #  - mods: modality id, 0=icd10, 1=atc, 2=lab_test
    #  - vals: lab-test measurement values
    first_char = jax.random.randint(k1, (N,), 0, FIRST_LVL_ROWS, dtype=jnp.int64)
    digits = jax.random.randint(k2, (N, L), 0, 10, dtype=jnp.int64)
    mods = jax.random.randint(k3, (N,), 0, 3, dtype=jnp.int64)
    vals = jax.random.uniform(k4, (N,), dtype=jnp.float32)
    # Learned (frozen) parameters
    first_level_w = jax.random.normal(k5, (FIRST_LVL_ROWS, D), dtype=jnp.float32)
    integer_w = jax.random.normal(k6, (10, D), dtype=jnp.float32)
    return {
        "first_char": first_char,
        "digits": digits,
        "mods": mods,
        "vals": vals,
        "kappa": 2,
        "first_level_w": first_level_w,
        "integer_w": integer_w,
    }


def reference(first_char, digits, mods, vals, kappa, first_level_w, integer_w):
    # emb = first_level_embedding[first_lvl_int]
    base = jnp.take(first_level_w, first_char, axis=0)  # [N, D]
    # for i, c in enumerate(code[1:]): emb += 1/(i+2)**kappa * integer_embedding[int(c)]
    pos_w = 1.0 / (jnp.arange(digits.shape[1], dtype=jnp.float32) + 2.0) ** kappa  # [L]
    digit_emb = jnp.take(integer_w, digits, axis=0)  # [N, L, D]
    code_emb = base + jnp.einsum("l,nld->nd", pos_w, digit_emb)  # icd/atc branch
    # lab_embedding(code, val) = first_level_embedding[code] * val
    lab_emb = base * vals[:, None]
    is_lab = (mods == 2)[:, None]
    final_emb = jnp.where(is_lab, lab_emb, code_emb)
    return final_emb

if __name__ == "__main__":
    import jax
    _d = setup_inputs()
    print(jax.jit(kernel)(*tuple(_d.values())))

</pallas_src>

<mosaic_0001>
#map = affine_map<(d0, d1) -> (0)>
module attributes {stable_mosaic.version = 14 : i64} {
  func.func @_sc_kernel(%arg0: i32, %arg1: i32, %arg2: memref<819200xi32, #tpu.memory_space<hbm>>, %arg3: memref<4915200xi32, #tpu.memory_space<hbm>>, %arg4: memref<819200xi32, #tpu.memory_space<hbm>>, %arg5: memref<819200xf32, #tpu.memory_space<hbm>>, %arg6: memref<34716xi32, #tpu.memory_space<hbm>>, %arg7: memref<33033xi32, #tpu.memory_space<hbm>>, %arg8: memref<33033xi32, #tpu.memory_space<hbm>>, %arg9: memref<52428800xf32, #tpu.memory_space<hbm>>, %arg10: memref<34716xi32, #tpu.memory_space<vmem>>, %arg11: memref<33033xi32, #tpu.memory_space<vmem>>, %arg12: memref<33033xi32, #tpu.memory_space<vmem>>, %arg13: memref<320xi32, #tpu.memory_space<vmem>>, %arg14: memref<1920xi32, #tpu.memory_space<vmem>>, %arg15: memref<320xi32, #tpu.memory_space<vmem>>, %arg16: memref<320xf32, #tpu.memory_space<vmem>>, %arg17: memref<20480xf32, #tpu.memory_space<vmem>>, %arg18: memref<!tpu.dma_semaphore, #tpu.memory_space<semaphore_mem>>, %arg19: memref<!tpu.dma_semaphore, #tpu.memory_space<semaphore_mem>>, %arg20: memref<!tpu.dma_semaphore, #tpu.memory_space<semaphore_mem>>, %arg21: memref<!tpu.dma_semaphore, #tpu.memory_space<semaphore_mem>>) attributes {dimension_semantics = [#tpu.dimension_semantics<core_parallel>, #tpu.dimension_semantics<subcore_parallel>], iteration_bounds = array<i64: 2, 16>, scalar_prefetch = 0 : i64, scratch_operands = 12 : i64, tpu.core_type = #tpu.core_type<sc_vector_subcore>, window_params = [{transform_indices = #map}, {transform_indices = #map}, {transform_indices = #map}, {transform_indices = #map}, {transform_indices = #map}, {transform_indices = #map}, {transform_indices = #map}, {transform_indices = #map}]} {
    %mul3A = arith.constant 2 : i32
    %mul3A_0 = arith.muli %arg1, %mul3A : i32
    %add3A = arith.addi %mul3A_0, %arg0 : i32
    %mul3A_1 = arith.constant 25600 : i32
    %mul3A_2 = arith.muli %add3A, %mul3A_1 : i32
    "tpu.region"() ({
      %run_scoped3A = tpu.sem_alloc : memref<!tpu.dma_semaphore, #tpu.memory_space<semaphore_mem>>
      tpu.enqueue_dma source(%arg6 : memref<34716xi32, #tpu.memory_space<hbm>>) target(%arg10 : memref<34716xi32, #tpu.memory_space<vmem>>) target_semaphore(%run_scoped3A : memref<!tpu.dma_semaphore, #tpu.memory_space<semaphore_mem>>)
      tpu.wait_dma2 semaphore(%run_scoped3A : memref<!tpu.dma_semaphore, #tpu.memory_space<semaphore_mem>>) src(%arg6 : memref<34716xi32, #tpu.memory_space<hbm>>) dst(%arg10 : memref<34716xi32, #tpu.memory_space<vmem>>)
      tpu.yield
    }) : () -> ()
    "tpu.region"() ({
      %run_scoped3A = tpu.sem_alloc : memref<!tpu.dma_semaphore, #tpu.memory_space<semaphore_mem>>
      tpu.enqueue_dma source(%arg7 : memref<33033xi32, #tpu.memory_space<hbm>>) target(%arg11 : memref<33033xi32, #tpu.memory_space<vmem>>) target_semaphore(%run_scoped3A : memref<!tpu.dma_semaphore, #tpu.memory_space<semaphore_mem>>)
      tpu.wait_dma2 semaphore(%run_scoped3A : memref<!tpu.dma_semaphore, #tpu.memory_space<semaphore_mem>>) src(%arg7 : memref<33033xi32, #tpu.memory_space<hbm>>) dst(%arg11 : memref<33033xi32, #tpu.memory_space<vmem>>)
      tpu.yield
    }) : () -> ()
    "tpu.region"() ({
      %run_scoped3A = tpu.sem_alloc : memref<!tpu.dma_semaphore, #tpu.memory_space<semaphore_mem>>
      tpu.enqueue_dma source(%arg8 : memref<33033xi32, #tpu.memory_space<hbm>>) target(%arg12 : memref<33033xi32, #tpu.memory_space<vmem>>) target_semaphore(%run_scoped3A : memref<!tpu.dma_semaphore, #tpu.memory_space<semaphore_mem>>)
      tpu.wait_dma2 semaphore(%run_scoped3A : memref<!tpu.dma_semaphore, #tpu.memory_space<semaphore_mem>>) src(%arg8 : memref<33033xi32, #tpu.memory_space<hbm>>) dst(%arg12 : memref<33033xi32, #tpu.memory_space<vmem>>)
      tpu.yield
    }) : () -> ()
    %iota3A = tpu.iota {dimensions = array<i32: 0>} : vector<16xi32>
    %add3A_3 = arith.constant 0 : i32
    %add3A_4 = arith.addi %mul3A_2, %add3A_3 : i32
    %mul3A_5 = arith.constant 6 : i32
    %mul3A_6 = arith.muli %add3A_4, %mul3A_5 : i32
    %dma_start3A = arith.constant 0 : i32
    %dma_start3A_7 = tpu.memref_slice %arg13[%dma_start3A] : memref<320xi32, #tpu.memory_space<vmem>> -> memref<160xi32, #tpu.memory_space<vmem>>
    %dma_start3A_8 = tpu.memref_slice %arg2[%add3A_4] : memref<819200xi32, #tpu.memory_space<hbm>> -> memref<160xi32, #tpu.memory_space<hbm>>
    %dma_start3A_9 = arith.constant 0 : i32
    %dma_start3A_10 = tpu.memref_slice %arg13[%dma_start3A_9] : memref<320xi32, #tpu.memory_space<vmem>> -> memref<160xi32, #tpu.memory_space<vmem>>
    %dma_start3A_11 = tpu.memref_slice %arg2[%add3A_4] : memref<819200xi32, #tpu.memory_space<hbm>> -> memref<160xi32, #tpu.memory_space<hbm>>
    tpu.enqueue_dma source(%dma_start3A_11 : memref<160xi32, #tpu.memory_space<hbm>>) target(%dma_start3A_10 : memref<160xi32, #tpu.memory_space<vmem>>) target_semaphore(%arg18 : memref<!tpu.dma_semaphore, #tpu.memory_space<semaphore_mem>>)
    %dma_start3A_12 = arith.constant 0 : i32
    %dma_start3A_13 = tpu.memref_slice %arg14[%dma_start3A_12] : memref<1920xi32, #tpu.memory_space<vmem>> -> memref<960xi32, #tpu.memory_space<vmem>>
    %dma_start3A_14 = tpu.memref_slice %arg3[%mul3A_6] : memref<4915200xi32, #tpu.memory_space<hbm>> -> memref<960xi32, #tpu.memory_space<hbm>>
    %dma_start3A_15 = arith.constant 0 : i32
    %dma_start3A_16 = tpu.memref_slice %arg14[%dma_start3A_15] : memref<1920xi32, #tpu.memory_space<vmem>> -> memref<960xi32, #tpu.memory_space<vmem>>
    %dma_start3A_17 = tpu.memref_slice %arg3[%mul3A_6] : memref<4915200xi32, #tpu.memory_space<hbm>> -> memref<960xi32, #tpu.memory_space<hbm>>
    tpu.enqueue_dma source(%dma_start3A_17 : memref<960xi32, #tpu.memory_space<hbm>>) target(%dma_start3A_16 : memref<960xi32, #tpu.memory_space<vmem>>) target_semaphore(%arg18 : memref<!tpu.dma_semaphore, #tpu.memory_space<semaphore_mem>>)
    %dma_start3A_18 = arith.constant 0 : i32
    %dma_start3A_19 = tpu.memref_slice %arg15[%dma_start3A_18] : memref<320xi32, #tpu.memory_space<vmem>> -> memref<160xi32, #tpu.memory_space<vmem>>
    %dma_start3A_20 = tpu.memref_slice %arg4[%add3A_4] : memref<819200xi32, #tpu.memory_space<hbm>> -> memref<160xi32, #tpu.memory_space<hbm>>
    %dma_start3A_21 = arith.constant 0 : i32
    %dma_start3A_22 = tpu.memref_slice %arg15[%dma_start3A_21] : memref<320xi32, #tpu.memory_space<vmem>> -> memref<160xi32, #tpu.memory_space<vmem>>
    %dma_start3A_23 = tpu.memref_slice %arg4[%add3A_4] : memref<819200xi32, #tpu.memory_space<hbm>> -> memref<160xi32, #tpu.memory_space<hbm>>
    tpu.enqueue_dma source(%dma_start3A_23 : memref<160xi32, #tpu.memory_space<hbm>>) target(%dma_start3A_22 : memref<160xi32, #tpu.memory_space<vmem>>) target_semaphore(%arg18 : memref<!tpu.dma_semaphore, #tpu.memory_space<semaphore_mem>>)
    %dma_start3A_24 = arith.constant 0 : i32
    %dma_start3A_25 = tpu.memref_slice %arg16[%dma_start3A_24] : memref<320xf32, #tpu.memory_space<vmem>> -> memref<160xf32, #tpu.memory_space<vmem>>
    %dma_start3A_26 = tpu.memref_slice %arg5[%add3A_4] : memref<819200xf32, #tpu.memory_space<hbm>> -> memref<160xf32, #tpu.memory_space<hbm>>
    %dma_start3A_27 = arith.constant 0 : i32
    %dma_start3A_28 = tpu.memref_slice %arg16[%dma_start3A_27] : memref<320xf32, #tpu.memory_space<vmem>> -> memref<160xf32, #tpu.memory_space<vmem>>
    %dma_start3A_29 = tpu.memref_slice %arg5[%add3A_4] : memref<819200xf32, #tpu.memory_space<hbm>> -> memref<160xf32, #tpu.memory_space<hbm>>
    tpu.enqueue_dma source(%dma_start3A_29 : memref<160xf32, #tpu.memory_space<hbm>>) target(%dma_start3A_28 : memref<160xf32, #tpu.memory_space<vmem>>) target_semaphore(%arg18 : memref<!tpu.dma_semaphore, #tpu.memory_space<semaphore_mem>>)
    %add3A_30 = arith.constant 160 : i32
    %add3A_31 = arith.addi %mul3A_2, %add3A_30 : i32
    %mul3A_32 = arith.constant 6 : i32
    %mul3A_33 = arith.muli %add3A_31, %mul3A_32 : i32
    %dma_start3A_34 = arith.constant 160 : i32
    %dma_start3A_35 = tpu.memref_slice %arg13[%dma_start3A_34] : memref<320xi32, #tpu.memory_space<vmem>> -> memref<160xi32, #tpu.memory_space<vmem>>
    %dma_start3A_36 = tpu.memref_slice %arg2[%add3A_31] : memref<819200xi32, #tpu.memory_space<hbm>> -> memref<160xi32, #tpu.memory_space<hbm>>
    %dma_start3A_37 = arith.constant 160 : i32
    %dma_start3A_38 = tpu.memref_slice %arg13[%dma_start3A_37] : memref<320xi32, #tpu.memory_space<vmem>> -> memref<160xi32, #tpu.memory_space<vmem>>
    %dma_start3A_39 = tpu.memref_slice %arg2[%add3A_31] : memref<819200xi32, #tpu.memory_space<hbm>> -> memref<160xi32, #tpu.memory_space<hbm>>
    tpu.enqueue_dma source(%dma_start3A_39 : memref<160xi32, #tpu.memory_space<hbm>>) target(%dma_start3A_38 : memref<160xi32, #tpu.memory_space<vmem>>) target_semaphore(%arg19 : memref<!tpu.dma_semaphore, #tpu.memory_space<semaphore_mem>>)
    %dma_start3A_40 = arith.constant 960 : i32
    %dma_start3A_41 = tpu.memref_slice %arg14[%dma_start3A_40] : memref<1920xi32, #tpu.memory_space<vmem>> -> memref<960xi32, #tpu.memory_space<vmem>>
    %dma_start3A_42 = tpu.memref_slice %arg3[%mul3A_33] : memref<4915200xi32, #tpu.memory_space<hbm>> -> memref<960xi32, #tpu.memory_space<hbm>>
    %dma_start3A_43 = arith.constant 960 : i32
    %dma_start3A_44 = tpu.memref_slice %arg14[%dma_start3A_43] : memref<1920xi32, #tpu.memory_space<vmem>> -> memref<960xi32, #tpu.memory_space<vmem>>
    %dma_start3A_45 = tpu.memref_slice %arg3[%mul3A_33] : memref<4915200xi32, #tpu.memory_space<hbm>> -> memref<960xi32, #tpu.memory_space<hbm>>
    tpu.enqueue_dma source(%dma_start3A_45 : memref<960xi32, #tpu.memory_space<hbm>>) target(%dma_start3A_44 : memref<960xi32, #tpu.memory_space<vmem>>) target_semaphore(%arg19 : memref<!tpu.dma_semaphore, #tpu.memory_space<semaphore_mem>>)
    %dma_start3A_46 = arith.constant 160 : i32
    %dma_start3A_47 = tpu.memref_slice %arg15[%dma_start3A_46] : memref<320xi32, #tpu.memory_space<vmem>> -> memref<160xi32, #tpu.memory_space<vmem>>
    %dma_start3A_48 = tpu.memref_slice %arg4[%add3A_31] : memref<819200xi32, #tpu.memory_space<hbm>> -> memref<160xi32, #tpu.memory_space<hbm>>
    %dma_start3A_49 = arith.constant 160 : i32
    %dma_start3A_50 = tpu.memref_slice %arg15[%dma_start3A_49] : memref<320xi32, #tpu.memory_space<vmem>> -> memref<160xi32, #tpu.memory_space<vmem>>
    %dma_start3A_51 = tpu.memref_slice %arg4[%add3A_31] : memref<819200xi32, #tpu.memory_space<hbm>> -> memref<160xi32, #tpu.memory_space<hbm>>
    tpu.enqueue_dma source(%dma_start3A_51 : memref<160xi32, #tpu.memory_space<hbm>>) target(%dma_start3A_50 : memref<160xi32, #tpu.memory_space<vmem>>) target_semaphore(%arg19 : memref<!tpu.dma_semaphore, #tpu.memory_space<semaphore_mem>>)
    %dma_start3A_52 = arith.constant 160 : i32
    %dma_start3A_53 = tpu.memref_slice %arg16[%dma_start3A_52] : memref<320xf32, #tpu.memory_space<vmem>> -> memref<160xf32, #tpu.memory_space<vmem>>
    %dma_start3A_54 = tpu.memref_slice %arg5[%add3A_31] : memref<819200xf32, #tpu.memory_space<hbm>> -> memref<160xf32, #tpu.memory_space<hbm>>
    %dma_start3A_55 = arith.constant 160 : i32
    %dma_start3A_56 = tpu.memref_slice %arg16[%dma_start3A_55] : memref<320xf32, #tpu.memory_space<vmem>> -> memref<160xf32, #tpu.memory_space<vmem>>
    %dma_start3A_57 = tpu.memref_slice %arg5[%add3A_31] : memref<819200xf32, #tpu.memory_space<hbm>> -> memref<160xf32, #tpu.memory_space<hbm>>
    tpu.enqueue_dma source(%dma_start3A_57 : memref<160xf32, #tpu.memory_space<hbm>>) target(%dma_start3A_56 : memref<160xf32, #tpu.memory_space<vmem>>) target_semaphore(%arg19 : memref<!tpu.dma_semaphore, #tpu.memory_space<semaphore_mem>>)
    %scan3A = arith.constant 0 : i32
    %scan3A_58 = arith.constant 0 : i32
    %scan3A_59 = arith.constant 80 : i32
    %scan3A_60 = arith.addi %scan3A_58, %scan3A_59 : i32
    %scan3A_61 = arith.constant 1 : i32
    scf.for %scan3A_82 = %scan3A_58 to %scan3A_60 step %scan3A_61  : i32 {
      %mul3A_83 = arith.constant 2 : i32
      %mul3A_84 = arith.muli %mul3A_83, %scan3A_82 : i32
      %add3A_85 = arith.constant 0 : i32
      %add3A_86 = arith.addi %mul3A_84, %add3A_85 : i32
      %mul3A_87 = arith.constant 160 : i32
      %mul3A_88 = arith.muli %add3A_86, %mul3A_87 : i32
      %add3A_89 = arith.addi %mul3A_2, %mul3A_88 : i32
      %mul3A_90 = arith.constant 6 : i32
      %mul3A_91 = arith.muli %add3A_89, %mul3A_90 : i32
      %dma_wait3A_92 = arith.constant 0 : i32
      %dma_wait3A_93 = tpu.memref_slice %arg13[%dma_wait3A_92] : memref<320xi32, #tpu.memory_space<vmem>> -> memref<160xi32, #tpu.memory_space<vmem>>
      %dma_wait3A_94 = tpu.memref_slice %arg2[%add3A_89] : memref<819200xi32, #tpu.memory_space<hbm>> -> memref<160xi32, #tpu.memory_space<hbm>>
      %dma_wait3A_95 = arith.constant 0 : i32
      %dma_wait3A_96 = tpu.memref_slice %arg13[%dma_wait3A_95] : memref<320xi32, #tpu.memory_space<vmem>> -> memref<160xi32, #tpu.memory_space<vmem>>
      %dma_wait3A_97 = tpu.memref_slice %arg2[%add3A_89] : memref<819200xi32, #tpu.memory_space<hbm>> -> memref<160xi32, #tpu.memory_space<hbm>>
      tpu.wait_dma2 semaphore(%arg18 : memref<!tpu.dma_semaphore, #tpu.memory_space<semaphore_mem>>) src(%dma_wait3A_97 : memref<160xi32, #tpu.memory_space<hbm>>) dst(%dma_wait3A_96 : memref<160xi32, #tpu.memory_space<vmem>>)
      %dma_wait3A_98 = arith.constant 0 : i32
      %dma_wait3A_99 = tpu.memref_slice %arg14[%dma_wait3A_98] : memref<1920xi32, #tpu.memory_space<vmem>> -> memref<960xi32, #tpu.memory_space<vmem>>
      %dma_wait3A_100 = tpu.memref_slice %arg3[%mul3A_91] : memref<4915200xi32, #tpu.memory_space<hbm>> -> memref<960xi32, #tpu.memory_space<hbm>>
      %dma_wait3A_101 = arith.constant 0 : i32
      %dma_wait3A_102 = tpu.memref_slice %arg14[%dma_wait3A_101] : memref<1920xi32, #tpu.memory_space<vmem>> -> memref<960xi32, #tpu.memory_space<vmem>>
      %dma_wait3A_103 = tpu.memref_slice %arg3[%mul3A_91] : memref<4915200xi32, #tpu.memory_space<hbm>> -> memref<960xi32, #tpu.memory_space<hbm>>
      tpu.wait_dma2 semaphore(%arg18 : memref<!tpu.dma_semaphore, #tpu.memory_space<semaphore_mem>>) src(%dma_wait3A_103 : memref<960xi32, #tpu.memory_space<hbm>>) dst(%dma_wait3A_102 : memref<960xi32, #tpu.memory_space<vmem>>)
      %dma_wait3A_104 = arith.constant 0 : i32
      %dma_wait3A_105 = tpu.memref_slice %arg15[%dma_wait3A_104] : memref<320xi32, #tpu.memory_space<vmem>> -> memref<160xi32, #tpu.memory_space<vmem>>
      %dma_wait3A_106 = tpu.memref_slice %arg4[%add3A_89] : memref<819200xi32, #tpu.memory_space<hbm>> -> memref<160xi32, #tpu.memory_space<hbm>>
      %dma_wait3A_107 = arith.constant 0 : i32
      %dma_wait3A_108 = tpu.memref_slice %arg15[%dma_wait3A_107] : memref<320xi32, #tpu.memory_space<vmem>> -> memref<160xi32, #tpu.memory_space<vmem>>
      %dma_wait3A_109 = tpu.memref_slice %arg4[%add3A_89] : memref<819200xi32, #tpu.memory_space<hbm>> -> memref<160xi32, #tpu.memory_space<hbm>>
      tpu.wait_dma2 semaphore(%arg18 : memref<!tpu.dma_semaphore, #tpu.memory_space<semaphore_mem>>) src(%dma_wait3A_109 : memref<160xi32, #tpu.memory_space<hbm>>) dst(%dma_wait3A_108 : memref<160xi32, #tpu.memory_space<vmem>>)
      %dma_wait3A_110 = arith.constant 0 : i32
      %dma_wait3A_111 = tpu.memref_slice %arg16[%dma_wait3A_110] : memref<320xf32, #tpu.memory_space<vmem>> -> memref<160xf32, #tpu.memory_space<vmem>>
      %dma_wait3A_112 = tpu.memref_slice %arg5[%add3A_89] : memref<819200xf32, #tpu.memory_space<hbm>> -> memref<160xf32, #tpu.memory_space<hbm>>
      %dma_wait3A_113 = arith.constant 0 : i32
      %dma_wait3A_114 = tpu.memref_slice %arg16[%dma_wait3A_113] : memref<320xf32, #tpu.memory_space<vmem>> -> memref<160xf32, #tpu.memory_space<vmem>>
      %dma_wait3A_115 = tpu.memref_slice %arg5[%add3A_89] : memref<819200xf32, #tpu.memory_space<hbm>> -> memref<160xf32, #tpu.memory_space<hbm>>
      tpu.wait_dma2 semaphore(%arg18 : memref<!tpu.dma_semaphore, #tpu.memory_space<semaphore_mem>>) src(%dma_wait3A_115 : memref<160xf32, #tpu.memory_space<hbm>>) dst(%dma_wait3A_114 : memref<160xf32, #tpu.memory_space<vmem>>)
      %ge3A = arith.constant 1 : i32
      %ge3A_116 = arith.cmpi sge, %scan3A_82, %ge3A : i32
      %convert_element_type3A = arith.extui %ge3A_116 : i1 to i32
      %cond3A = arith.constant 0 : i32
      %cond3A_117 = arith.cmpi ne, %convert_element_type3A, %cond3A : i32
      scf.if %cond3A_117 {
        %sub3A = arith.constant 2 : i32
        %sub3A_192 = arith.subi %add3A_86, %sub3A : i32
        %mul3A_193 = arith.constant 160 : i32
        %mul3A_194 = arith.muli %sub3A_192, %mul3A_193 : i32
        %add3A_195 = arith.addi %mul3A_2, %mul3A_194 : i32
        %mul3A_196 = arith.constant 64 : i32
        %mul3A_197 = arith.muli %add3A_195, %mul3A_196 : i32
        %dma_wait3A_198 = arith.constant 0 : i32
        %dma_wait3A_199 = tpu.memref_slice %arg17[%dma_wait3A_198] : memref<20480xf32, #tpu.memory_space<vmem>> -> memref<10240xf32, #tpu.memory_space<vmem>>
        %dma_wait3A_200 = tpu.memref_slice %arg9[%mul3A_197] : memref<52428800xf32, #tpu.memory_space<hbm>> -> memref<10240xf32, #tpu.memory_space<hbm>>
        %dma_wait3A_201 = tpu.memref_slice %arg9[%mul3A_197] : memref<52428800xf32, #tpu.memory_space<hbm>> -> memref<10240xf32, #tpu.memory_space<hbm>>
        %dma_wait3A_202 = arith.constant 0 : i32
        %dma_wait3A_203 = tpu.memref_slice %arg17[%dma_wait3A_202] : memref<20480xf32, #tpu.memory_space<vmem>> -> memref<10240xf32, #tpu.memory_space<vmem>>
        tpu.wait_dma2 semaphore(%arg20 : memref<!tpu.dma_semaphore, #tpu.memory_space<semaphore_mem>>) src(%dma_wait3A_203 : memref<10240xf32, #tpu.memory_space<vmem>>) dst(%dma_wait3A_201 : memref<10240xf32, #tpu.memory_space<hbm>>)
      } else {
      }
      %parallel_loop3A = arith.constant 0 : i32
      %parallel_loop3A_118 = arith.constant 10 : i32
      %parallel_loop3A_119 = arith.constant 1 : i32
      scf.for %parallel_loop3A_192 = %parallel_loop3A to %parallel_loop3A_118 step %parallel_loop3A_119  : i32 {
        %parallel_loop3A_193 = arith.constant 16 : i32
        %parallel_loop3A_194 = arith.muli %parallel_loop3A_192, %parallel_loop3A_193 : i32
        %parallel_loop3A_195 = arith.constant 0 : i32
        %parallel_loop3A_196 = arith.addi %parallel_loop3A_195, %parallel_loop3A_194 : i32
        %parallel_loop3A_197 = arith.constant 16 : i32
        %parallel_loop3A_198 = arith.muli %parallel_loop3A_192, %parallel_loop3A_197 : i32
        %parallel_loop3A_199 = vector.broadcast %parallel_loop3A_198 : i32 to vector<16xi32>
        %parallel_loop3A_200 = arith.addi %parallel_loop3A_199, %iota3A : vector<16xi32>
        %parallel_loop3A_201 = arith.index_cast %parallel_loop3A_196 : i32 to index
        %parallel_loop3A_202 = tpu.vector_load %arg13[%parallel_loop3A_201] {strides = array<i32>} : memref<320xi32, #tpu.memory_space<vmem>>, vector<16xi32>,
        %parallel_loop3A_203 = arith.index_cast %parallel_loop3A_196 : i32 to index
        %parallel_loop3A_204 = tpu.vector_load %arg15[%parallel_loop3A_203] {strides = array<i32>} : memref<320xi32, #tpu.memory_space<vmem>>, vector<16xi32>,
        %parallel_loop3A_205 = arith.index_cast %parallel_loop3A_196 : i32 to index
        %parallel_loop3A_206 = tpu.vector_load %arg16[%parallel_loop3A_205] {strides = array<i32>} : memref<320xf32, #tpu.memory_space<vmem>>, vector<16xf32>,
        %parallel_loop3A_207 = arith.constant 6 : i32
        %parallel_loop3A_208 = vector.broadcast %parallel_loop3A_207 : i32 to vector<16xi32>
        %parallel_loop3A_209 = arith.muli %parallel_loop3A_200, %parallel_loop3A_208 : vector<16xi32>
        %parallel_loop3A_210 = arith.constant 0 : i32
        %parallel_loop3A_211 = tpu.memref_slice %arg14[%parallel_loop3A_210] : memref<1920xi32, #tpu.memory_space<vmem>> -> memref<960xi32, #tpu.memory_space<vmem>>
        %parallel_loop3A_212 = tpu.vector_load_idx %parallel_loop3A_211[%parallel_loop3A_209] : memref<960xi32, #tpu.memory_space<vmem>>[vector<16xi32>], vector<16xi32>,
        %parallel_loop3A_213 = arith.constant 1 : i32
        %parallel_loop3A_214 = vector.broadcast %parallel_loop3A_213 : i32 to vector<16xi32>
        %parallel_loop3A_215 = arith.addi %parallel_loop3A_209, %parallel_loop3A_214 : vector<16xi32>
        %parallel_loop3A_216 = arith.constant 0 : i32
        %parallel_loop3A_217 = tpu.memref_slice %arg14[%parallel_loop3A_216] : memref<1920xi32, #tpu.memory_space<vmem>> -> memref<960xi32, #tpu.memory_space<vmem>>
        %parallel_loop3A_218 = tpu.vector_load_idx %parallel_loop3A_217[%parallel_loop3A_215] : memref<960xi32, #tpu.memory_space<vmem>>[vector<16xi32>], vector<16xi32>,
        %parallel_loop3A_219 = arith.constant 2 : i32
        %parallel_loop3A_220 = vector.broadcast %parallel_loop3A_219 : i32 to vector<16xi32>
        %parallel_loop3A_221 = arith.addi %parallel_loop3A_209, %parallel_loop3A_220 : vector<16xi32>
        %parallel_loop3A_222 = arith.constant 0 : i32
        %parallel_loop3A_223 = tpu.memref_slice %arg14[%parallel_loop3A_222] : memref<1920xi32, #tpu.memory_space<vmem>> -> memref<960xi32, #tpu.memory_space<vmem>>
        %parallel_loop3A_224 = tpu.vector_load_idx %parallel_loop3A_223[%parallel_loop3A_221] : memref<960xi32, #tpu.memory_space<vmem>>[vector<16xi32>], vector<16xi32>,
        %parallel_loop3A_225 = arith.constant 3 : i32
        %parallel_loop3A_226 = vector.broadcast %parallel_loop3A_225 : i32 to vector<16xi32>
        %parallel_loop3A_227 = arith.addi %parallel_loop3A_209, %parallel_loop3A_226 : vector<16xi32>
        %parallel_loop3A_228 = arith.constant 0 : i32
        %parallel_loop3A_229 = tpu.memref_slice %arg14[%parallel_loop3A_228] : memref<1920xi32, #tpu.memory_space<vmem>> -> memref<960xi32, #tpu.memory_space<vmem>>
        %parallel_loop3A_230 = tpu.vector_load_idx %parallel_loop3A_229[%parallel_loop3A_227] : memref<960xi32, #tpu.memory_space<vmem>>[vector<16xi32>], vector<16xi32>,
        %parallel_loop3A_231 = arith.constant 4 : i32
        %parallel_loop3A_232 = vector.broadcast %parallel_loop3A_231 : i32 to vector<16xi32>
        %parallel_loop3A_233 = arith.addi %parallel_loop3A_209, %parallel_loop3A_232 : vector<16xi32>
        %parallel_loop3A_234 = arith.constant 0 : i32
        %parallel_loop3A_235 = tpu.memref_slice %arg14[%parallel_loop3A_234] : memref<1920xi32, #tpu.memory_space<vmem>> -> memref<960xi32, #tpu.memory_space<vmem>>
        %parallel_loop3A_236 = tpu.vector_load_idx %parallel_loop3A_235[%parallel_loop3A_233] : memref<960xi32, #tpu.memory_space<vmem>>[vector<16xi32>], vector<16xi32>,
        %parallel_loop3A_237 = arith.constant 5 : i32
        %parallel_loop3A_238 = vector.broadcast %parallel_loop3A_237 : i32 to vector<16xi32>
        %parallel_loop3A_239 = arith.addi %parallel_loop3A_209, %parallel_loop3A_238 : vector<16xi32>
        %parallel_loop3A_240 = arith.constant 0 : i32
        %parallel_loop3A_241 = tpu.memref_slice %arg14[%parallel_loop3A_240] : memref<1920xi32, #tpu.memory_space<vmem>> -> memref<960xi32, #tpu.memory_space<vmem>>
        %parallel_loop3A_242 = tpu.vector_load_idx %parallel_loop3A_241[%parallel_loop3A_239] : memref<960xi32, #tpu.memory_space<vmem>>[vector<16xi32>], vector<16xi32>,
        %parallel_loop3A_243 = arith.constant 2 : i32
        %parallel_loop3A_244 = vector.broadcast %parallel_loop3A_243 : i32 to vector<16xi32>
        %parallel_loop3A_245 = arith.cmpi eq, %parallel_loop3A_204, %parallel_loop3A_244 : vector<16xi32>
        %parallel_loop3A_246 = arith.constant 33000 : i32
        %parallel_loop3A_247 = vector.broadcast %parallel_loop3A_246 : i32 to vector<16xi32>
        %parallel_loop3A_248 = arith.constant 33 : i32
        %parallel_loop3A_249 = vector.broadcast %parallel_loop3A_248 : i32 to vector<16xi32>
        %parallel_loop3A_250 = arith.muli %parallel_loop3A_202, %parallel_loop3A_249 : vector<16xi32>
        %parallel_loop3A_251 = arith.constant 10 : i32
        %parallel_loop3A_252 = vector.broadcast %parallel_loop3A_251 : i32 to vector<16xi32>
        %parallel_loop3A_253 = arith.muli %parallel_loop3A_212, %parallel_loop3A_252 : vector<16xi32>
        %parallel_loop3A_254 = arith.addi %parallel_loop3A_253, %parallel_loop3A_218 : vector<16xi32>
        %parallel_loop3A_255 = arith.constant 10 : i32
        %parallel_loop3A_256 = vector.broadcast %parallel_loop3A_255 : i32 to vector<16xi32>
        %parallel_loop3A_257 = arith.muli %parallel_loop3A_254, %parallel_loop3A_256 : vector<16xi32>
        %parallel_loop3A_258 = arith.addi %parallel_loop3A_257, %parallel_loop3A_224 : vector<16xi32>
        %parallel_loop3A_259 = arith.constant 33 : i32
        %parallel_loop3A_260 = vector.broadcast %parallel_loop3A_259 : i32 to vector<16xi32>
        %parallel_loop3A_261 = arith.muli %parallel_loop3A_258, %parallel_loop3A_260 : vector<16xi32>
        %parallel_loop3A_262 = arith.select %parallel_loop3A_245, %parallel_loop3A_247, %parallel_loop3A_261 : vector<16xi1>, vector<16xi32>
        %parallel_loop3A_263 = arith.constant 10 : i32
        %parallel_loop3A_264 = vector.broadcast %parallel_loop3A_263 : i32 to vector<16xi32>
        %parallel_loop3A_265 = arith.muli %parallel_loop3A_230, %parallel_loop3A_264 : vector<16xi32>
        %parallel_loop3A_266 = arith.addi %parallel_loop3A_265, %parallel_loop3A_236 : vector<16xi32>
        %parallel_loop3A_267 = arith.constant 10 : i32
        %parallel_loop3A_268 = vector.broadcast %parallel_loop3A_267 : i32 to vector<16xi32>
        %parallel_loop3A_269 = arith.muli %parallel_loop3A_266, %parallel_loop3A_268 : vector<16xi32>
        %parallel_loop3A_270 = arith.addi %parallel_loop3A_269, %parallel_loop3A_242 : vector<16xi32>
        %parallel_loop3A_271 = arith.constant 33 : i32
        %parallel_loop3A_272 = vector.broadcast %parallel_loop3A_271 : i32 to vector<16xi32>
        %parallel_loop3A_273 = arith.muli %parallel_loop3A_270, %parallel_loop3A_272 : vector<16xi32>
        %parallel_loop3A_274 = arith.select %parallel_loop3A_245, %parallel_loop3A_247, %parallel_loop3A_273 : vector<16xi1>, vector<16xi32>
        %parallel_loop3A_275 = arith.constant 64 : i32
        %parallel_loop3A_276 = vector.broadcast %parallel_loop3A_275 : i32 to vector<16xi32>
        %parallel_loop3A_277 = arith.muli %parallel_loop3A_200, %parallel_loop3A_276 : vector<16xi32>
        %parallel_loop3A_278 = arith.constant 1.000000e+00 : f32
        %parallel_loop3A_279 = vector.broadcast %parallel_loop3A_278 : f32 to vector<16xf32>
        %parallel_loop3A_280 = arith.select %parallel_loop3A_245, %parallel_loop3A_206, %parallel_loop3A_279 : vector<16xi1>, vector<16xf32>
        %parallel_loop3A_281 = tpu.pack_subelements %parallel_loop3A_280, %parallel_loop3A_280 {pack_format = #tpu.pack_format<interleaved>, positions = array<i32: 0, 1>} : vector<16xf32>, vector<16xf32> -> vector<32xbf16>
        %parallel_loop3A_282 = arith.constant 0 : i32
        %parallel_loop3A_283 = arith.constant 32 : i32
        %parallel_loop3A_284 = arith.constant 1 : i32
        scf.for %parallel_loop3A_285 = %parallel_loop3A_282 to %parallel_loop3A_283 step %parallel_loop3A_284  : i32 {
          %parallel_loop3A_286 = vector.broadcast %parallel_loop3A_285 : i32 to vector<16xi32>
          %parallel_loop3A_287 = arith.addi %iota3A, %parallel_loop3A_286 : vector<16xi32>
          %parallel_loop3A_288 = arith.constant 31 : i32
          %parallel_loop3A_289 = vector.broadcast %parallel_loop3A_288 : i32 to vector<16xi32>
          %parallel_loop3A_290 = arith.andi %parallel_loop3A_287, %parallel_loop3A_289 : vector<16xi32>
          %parallel_loop3A_291 = arith.addi %parallel_loop3A_250, %parallel_loop3A_290 : vector<16xi32>
          %parallel_loop3A_292 = tpu.vector_load_idx %arg10[%parallel_loop3A_291] : memref<34716xi32, #tpu.memory_space<vmem>>[vector<16xi32>], vector<16xi32>,
          %parallel_loop3A_293 = arith.addi %parallel_loop3A_262, %parallel_loop3A_290 : vector<16xi32>
          %parallel_loop3A_294 = tpu.vector_load_idx %arg11[%parallel_loop3A_293] : memref<33033xi32, #tpu.memory_space<vmem>>[vector<16xi32>], vector<16xi32>,
          %parallel_loop3A_295 = arith.addi %parallel_loop3A_274, %parallel_loop3A_290 : vector<16xi32>
          %parallel_loop3A_296 = tpu.vector_load_idx %arg12[%parallel_loop3A_295] : memref<33033xi32, #tpu.memory_space<vmem>>[vector<16xi32>], vector<16xi32>,
          %parallel_loop3A_297 = vector.bitcast %parallel_loop3A_292 : vector<16xi32> to vector<32xbf16>
          %parallel_loop3A_298 = vector.bitcast %parallel_loop3A_294 : vector<16xi32> to vector<32xbf16>
          %parallel_loop3A_299 = vector.bitcast %parallel_loop3A_296 : vector<16xi32> to vector<32xbf16>
          %parallel_loop3A_300 = arith.mulf %parallel_loop3A_297, %parallel_loop3A_281 : vector<32xbf16>
          %parallel_loop3A_301 = arith.addf %parallel_loop3A_298, %parallel_loop3A_299 : vector<32xbf16>
          %parallel_loop3A_302 = arith.addf %parallel_loop3A_300, %parallel_loop3A_301 : vector<32xbf16>
          %parallel_loop3A_303 = tpu.unpack_subelements %parallel_loop3A_302, 0 {pack_format = #tpu.pack_format<interleaved>} : vector<32xbf16> -> vector<16xf32>
          %parallel_loop3A_304 = tpu.unpack_subelements %parallel_loop3A_302, 1 {pack_format = #tpu.pack_format<interleaved>} : vector<32xbf16> -> vector<16xf32>
          %parallel_loop3A_305 = arith.addi %parallel_loop3A_290, %parallel_loop3A_290 : vector<16xi32>
          %parallel_loop3A_306 = arith.addi %parallel_loop3A_277, %parallel_loop3A_305 : vector<16xi32>
          %parallel_loop3A_307 = arith.constant 0 : i32
          %parallel_loop3A_308 = tpu.memref_slice %arg17[%parallel_loop3A_307] : memref<20480xf32, #tpu.memory_space<vmem>> -> memref<10240xf32, #tpu.memory_space<vmem>>
          tpu.vector_store_idx %parallel_loop3A_308[%parallel_loop3A_306], %parallel_loop3A_303 : memref<10240xf32, #tpu.memory_space<vmem>>[vector<16xi32>], vector<16xf32>,
          %parallel_loop3A_309 = arith.constant 1 : i32
          %parallel_loop3A_310 = vector.broadcast %parallel_loop3A_309 : i32 to vector<16xi32>
          %parallel_loop3A_311 = arith.addi %parallel_loop3A_306, %parallel_loop3A_310 : vector<16xi32>
          %parallel_loop3A_312 = arith.constant 0 : i32
          %parallel_loop3A_313 = tpu.memref_slice %arg17[%parallel_loop3A_312] : memref<20480xf32, #tpu.memory_space<vmem>> -> memref<10240xf32, #tpu.memory_space<vmem>>
          tpu.vector_store_idx %parallel_loop3A_313[%parallel_loop3A_311], %parallel_loop3A_304 : memref<10240xf32, #tpu.memory_space<vmem>>[vector<16xi32>], vector<16xf32>,
        } {sc.loop_unroll_factor = 4 : i64, sc.parallel_access}
      } {sc.loop_unroll_factor = 2 : i64, sc.parallel_access}
      %mul3A_120 = arith.constant 160 : i32
      %mul3A_121 = arith.muli %add3A_86, %mul3A_120 : i32
      %add3A_122 = arith.addi %mul3A_2, %mul3A_121 : i32
      %mul3A_123 = arith.constant 64 : i32
      %mul3A_124 = arith.muli %add3A_122, %mul3A_123 : i32
      %dma_start3A_125 = arith.constant 0 : i32
      %dma_start3A_126 = tpu.memref_slice %arg17[%dma_start3A_125] : memref<20480xf32, #tpu.memory_space<vmem>> -> memref<10240xf32, #tpu.memory_space<vmem>>
      %dma_start3A_127 = tpu.memref_slice %arg9[%mul3A_124] : memref<52428800xf32, #tpu.memory_space<hbm>> -> memref<10240xf32, #tpu.memory_space<hbm>>
      %dma_start3A_128 = tpu.memref_slice %arg9[%mul3A_124] : memref<52428800xf32, #tpu.memory_space<hbm>> -> memref<10240xf32, #tpu.memory_space<hbm>>
      %dma_start3A_129 = arith.constant 0 : i32
      %dma_start3A_130 = tpu.memref_slice %arg17[%dma_start3A_129] : memref<20480xf32, #tpu.memory_space<vmem>> -> memref<10240xf32, #tpu.memory_space<vmem>>
      tpu.enqueue_dma source(%dma_start3A_130 : memref<10240xf32, #tpu.memory_space<vmem>>) target(%dma_start3A_128 : memref<10240xf32, #tpu.memory_space<hbm>>) target_semaphore(%arg20 : memref<!tpu.dma_semaphore, #tpu.memory_space<semaphore_mem>>)
      %lt3A = arith.constant 79 : i32
      %lt3A_131 = arith.cmpi slt, %scan3A_82, %lt3A : i32
      %convert_element_type3A_132 = arith.extui %lt3A_131 : i1 to i32
      %cond3A_133 = arith.constant 0 : i32
      %cond3A_134 = arith.cmpi ne, %convert_element_type3A_132, %cond3A_133 : i32
      scf.if %cond3A_134 {
        %add3A_192 = arith.constant 2 : i32
        %add3A_193 = arith.addi %add3A_86, %add3A_192 : i32
        %mul3A_194 = arith.constant 160 : i32
        %mul3A_195 = arith.muli %add3A_193, %mul3A_194 : i32
        %add3A_196 = arith.addi %mul3A_2, %mul3A_195 : i32
        %mul3A_197 = arith.constant 6 : i32
        %mul3A_198 = arith.muli %add3A_196, %mul3A_197 : i32
        %dma_start3A_199 = arith.constant 0 : i32
        %dma_start3A_200 = tpu.memref_slice %arg13[%dma_start3A_199] : memref<320xi32, #tpu.memory_space<vmem>> -> memref<160xi32, #tpu.memory_space<vmem>>
        %dma_start3A_201 = tpu.memref_slice %arg2[%add3A_196] : memref<819200xi32, #tpu.memory_space<hbm>> -> memref<160xi32, #tpu.memory_space<hbm>>
        %dma_start3A_202 = arith.constant 0 : i32
        %dma_start3A_203 = tpu.memref_slice %arg13[%dma_start3A_202] : memref<320xi32, #tpu.memory_space<vmem>> -> memref<160xi32, #tpu.memory_space<vmem>>
        %dma_start3A_204 = tpu.memref_slice %arg2[%add3A_196] : memref<819200xi32, #tpu.memory_space<hbm>> -> memref<160xi32, #tpu.memory_space<hbm>>
        tpu.enqueue_dma source(%dma_start3A_204 : memref<160xi32, #tpu.memory_space<hbm>>) target(%dma_start3A_203 : memref<160xi32, #tpu.memory_space<vmem>>) target_semaphore(%arg18 : memref<!tpu.dma_semaphore, #tpu.memory_space<semaphore_mem>>)
        %dma_start3A_205 = arith.constant 0 : i32
        %dma_start3A_206 = tpu.memref_slice %arg14[%dma_start3A_205] : memref<1920xi32, #tpu.memory_space<vmem>> -> memref<960xi32, #tpu.memory_space<vmem>>
        %dma_start3A_207 = tpu.memref_slice %arg3[%mul3A_198] : memref<4915200xi32, #tpu.memory_space<hbm>> -> memref<960xi32, #tpu.memory_space<hbm>>
        %dma_start3A_208 = arith.constant 0 : i32
        %dma_start3A_209 = tpu.memref_slice %arg14[%dma_start3A_208] : memref<1920xi32, #tpu.memory_space<vmem>> -> memref<960xi32, #tpu.memory_space<vmem>>
        %dma_start3A_210 = tpu.memref_slice %arg3[%mul3A_198] : memref<4915200xi32, #tpu.memory_space<hbm>> -> memref<960xi32, #tpu.memory_space<hbm>>
        tpu.enqueue_dma source(%dma_start3A_210 : memref<960xi32, #tpu.memory_space<hbm>>) target(%dma_start3A_209 : memref<960xi32, #tpu.memory_space<vmem>>) target_semaphore(%arg18 : memref<!tpu.dma_semaphore, #tpu.memory_space<semaphore_mem>>)
        %dma_start3A_211 = arith.constant 0 : i32
        %dma_start3A_212 = tpu.memref_slice %arg15[%dma_start3A_211] : memref<320xi32, #tpu.memory_space<vmem>> -> memref<160xi32, #tpu.memory_space<vmem>>
        %dma_start3A_213 = tpu.memref_slice %arg4[%add3A_196] : memref<819200xi32, #tpu.memory_space<hbm>> -> memref<160xi32, #tpu.memory_space<hbm>>
        %dma_start3A_214 = arith.constant 0 : i32
        %dma_start3A_215 = tpu.memref_slice %arg15[%dma_start3A_214] : memref<320xi32, #tpu.memory_space<vmem>> -> memref<160xi32, #tpu.memory_space<vmem>>
        %dma_start3A_216 = tpu.memref_slice %arg4[%add3A_196] : memref<819200xi32, #tpu.memory_space<hbm>> -> memref<160xi32, #tpu.memory_space<hbm>>
        tpu.enqueue_dma source(%dma_start3A_216 : memref<160xi32, #tpu.memory_space<hbm>>) target(%dma_start3A_215 : memref<160xi32, #tpu.memory_space<vmem>>) target_semaphore(%arg18 : memref<!tpu.dma_semaphore, #tpu.memory_space<semaphore_mem>>)
        %dma_start3A_217 = arith.constant 0 : i32
        %dma_start3A_218 = tpu.memref_slice %arg16[%dma_start3A_217] : memref<320xf32, #tpu.memory_space<vmem>> -> memref<160xf32, #tpu.memory_space<vmem>>
        %dma_start3A_219 = tpu.memref_slice %arg5[%add3A_196] : memref<819200xf32, #tpu.memory_space<hbm>> -> memref<160xf32, #tpu.memory_space<hbm>>
        %dma_start3A_220 = arith.constant 0 : i32
        %dma_start3A_221 = tpu.memref_slice %arg16[%dma_start3A_220] : memref<320xf32, #tpu.memory_space<vmem>> -> memref<160xf32, #tpu.memory_space<vmem>>
        %dma_start3A_222 = tpu.memref_slice %arg5[%add3A_196] : memref<819200xf32, #tpu.memory_space<hbm>> -> memref<160xf32, #tpu.memory_space<hbm>>
        tpu.enqueue_dma source(%dma_start3A_222 : memref<160xf32, #tpu.memory_space<hbm>>) target(%dma_start3A_221 : memref<160xf32, #tpu.memory_space<vmem>>) target_semaphore(%arg18 : memref<!tpu.dma_semaphore, #tpu.memory_space<semaphore_mem>>)
      } else {
      }
      %mul3A_135 = arith.constant 2 : i32
      %mul3A_136 = arith.muli %mul3A_135, %scan3A_82 : i32
      %add3A_137 = arith.constant 1 : i32
      %add3A_138 = arith.addi %mul3A_136, %add3A_137 : i32
      %mul3A_139 = arith.constant 160 : i32
      %mul3A_140 = arith.muli %add3A_138, %mul3A_139 : i32
      %add3A_141 = arith.addi %mul3A_2, %mul3A_140 : i32
      %mul3A_142 = arith.constant 6 : i32
      %mul3A_143 = arith.muli %add3A_141, %mul3A_142 : i32
      %dma_wait3A_144 = arith.constant 160 : i32
      %dma_wait3A_145 = tpu.memref_slice %arg13[%dma_wait3A_144] : memref<320xi32, #tpu.memory_space<vmem>> -> memref<160xi32, #tpu.memory_space<vmem>>
      %dma_wait3A_146 = tpu.memref_slice %arg2[%add3A_141] : memref<819200xi32, #tpu.memory_space<hbm>> -> memref<160xi32, #tpu.memory_space<hbm>>
      %dma_wait3A_147 = arith.constant 160 : i32
      %dma_wait3A_148 = tpu.memref_slice %arg13[%dma_wait3A_147] : memref<320xi32, #tpu.memory_space<vmem>> -> memref<160xi32, #tpu.memory_space<vmem>>
      %dma_wait3A_149 = tpu.memref_slice %arg2[%add3A_141] : memref<819200xi32, #tpu.memory_space<hbm>> -> memref<160xi32, #tpu.memory_space<hbm>>
      tpu.wait_dma2 semaphore(%arg19 : memref<!tpu.dma_semaphore, #tpu.memory_space<semaphore_mem>>) src(%dma_wait3A_149 : memref<160xi32, #tpu.memory_space<hbm>>) dst(%dma_wait3A_148 : memref<160xi32, #tpu.memory_space<vmem>>)
      %dma_wait3A_150 = arith.constant 960 : i32
      %dma_wait3A_151 = tpu.memref_slice %arg14[%dma_wait3A_150] : memref<1920xi32, #tpu.memory_space<vmem>> -> memref<960xi32, #tpu.memory_space<vmem>>
      %dma_wait3A_152 = tpu.memref_slice %arg3[%mul3A_143] : memref<4915200xi32, #tpu.memory_space<hbm>> -> memref<960xi32, #tpu.memory_space<hbm>>
      %dma_wait3A_153 = arith.constant 960 : i32
      %dma_wait3A_154 = tpu.memref_slice %arg14[%dma_wait3A_153] : memref<1920xi32, #tpu.memory_space<vmem>> -> memref<960xi32, #tpu.memory_space<vmem>>
      %dma_wait3A_155 = tpu.memref_slice %arg3[%mul3A_143] : memref<4915200xi32, #tpu.memory_space<hbm>> -> memref<960xi32, #tpu.memory_space<hbm>>
      tpu.wait_dma2 semaphore(%arg19 : memref<!tpu.dma_semaphore, #tpu.memory_space<semaphore_mem>>) src(%dma_wait3A_155 : memref<960xi32, #tpu.memory_space<hbm>>) dst(%dma_wait3A_154 : memref<960xi32, #tpu.memory_space<vmem>>)
      %dma_wait3A_156 = arith.constant 160 : i32
      %dma_wait3A_157 = tpu.memref_slice %arg15[%dma_wait3A_156] : memref<320xi32, #tpu.memory_space<vmem>> -> memref<160xi32, #tpu.memory_space<vmem>>
      %dma_wait3A_158 = tpu.memref_slice %arg4[%add3A_141] : memref<819200xi32, #tpu.memory_space<hbm>> -> memref<160xi32, #tpu.memory_space<hbm>>
      %dma_wait3A_159 = arith.constant 160 : i32
      %dma_wait3A_160 = tpu.memref_slice %arg15[%dma_wait3A_159] : memref<320xi32, #tpu.memory_space<vmem>> -> memref<160xi32, #tpu.memory_space<vmem>>
      %dma_wait3A_161 = tpu.memref_slice %arg4[%add3A_141] : memref<819200xi32, #tpu.memory_space<hbm>> -> memref<160xi32, #tpu.memory_space<hbm>>
      tpu.wait_dma2 semaphore(%arg19 : memref<!tpu.dma_semaphore, #tpu.memory_space<semaphore_mem>>) src(%dma_wait3A_161 : memref<160xi32, #tpu.memory_space<hbm>>) dst(%dma_wait3A_160 : memref<160xi32, #tpu.memory_space<vmem>>)
      %dma_wait3A_162 = arith.constant 160 : i32
      %dma_wait3A_163 = tpu.memref_slice %arg16[%dma_wait3A_162] : memref<320xf32, #tpu.memory_space<vmem>> -> memref<160xf32, #tpu.memory_space<vmem>>
      %dma_wait3A_164 = tpu.memref_slice %arg5[%add3A_141] : memref<819200xf32, #tpu.memory_space<hbm>> -> memref<160xf32, #tpu.memory_space<hbm>>
      %dma_wait3A_165 = arith.constant 160 : i32
      %dma_wait3A_166 = tpu.memref_slice %arg16[%dma_wait3A_165] : memref<320xf32, #tpu.memory_space<vmem>> -> memref<160xf32, #tpu.memory_space<vmem>>
      %dma_wait3A_167 = tpu.memref_slice %arg5[%add3A_141] : memref<819200xf32, #tpu.memory_space<hbm>> -> memref<160xf32, #tpu.memory_space<hbm>>
      tpu.wait_dma2 semaphore(%arg19 : memref<!tpu.dma_semaphore, #tpu.memory_space<semaphore_mem>>) src(%dma_wait3A_167 : memref<160xf32, #tpu.memory_space<hbm>>) dst(%dma_wait3A_166 : memref<160xf32, #tpu.memory_space<vmem>>)
      %ge3A_168 = arith.constant 1 : i32
      %ge3A_169 = arith.cmpi sge, %scan3A_82, %ge3A_168 : i32
      %convert_element_type3A_170 = arith.extui %ge3A_169 : i1 to i32
      %cond3A_171 = arith.constant 0 : i32
      %cond3A_172 = arith.cmpi ne, %convert_element_type3A_170, %cond3A_171 : i32
      scf.if %cond3A_172 {
        %sub3A = arith.constant 2 : i32
        %sub3A_192 = arith.subi %add3A_138, %sub3A : i32
        %mul3A_193 = arith.constant 160 : i32
        %mul3A_194 = arith.muli %sub3A_192, %mul3A_193 : i32
        %add3A_195 = arith.addi %mul3A_2, %mul3A_194 : i32
        %mul3A_196 = arith.constant 64 : i32
        %mul3A_197 = arith.muli %add3A_195, %mul3A_196 : i32
        %dma_wait3A_198 = arith.constant 10240 : i32
        %dma_wait3A_199 = tpu.memref_slice %arg17[%dma_wait3A_198] : memref<20480xf32, #tpu.memory_space<vmem>> -> memref<10240xf32, #tpu.memory_space<vmem>>
        %dma_wait3A_200 = tpu.memref_slice %arg9[%mul3A_197] : memref<52428800xf32, #tpu.memory_space<hbm>> -> memref<10240xf32, #tpu.memory_space<hbm>>
        %dma_wait3A_201 = tpu.memref_slice %arg9[%mul3A_197] : memref<52428800xf32, #tpu.memory_space<hbm>> -> memref<10240xf32, #tpu.memory_space<hbm>>
        %dma_wait3A_202 = arith.constant 10240 : i32
        %dma_wait3A_203 = tpu.memref_slice %arg17[%dma_wait3A_202] : memref<20480xf32, #tpu.memory_space<vmem>> -> memref<10240xf32, #tpu.memory_space<vmem>>
        tpu.wait_dma2 semaphore(%arg21 : memref<!tpu.dma_semaphore, #tpu.memory_space<semaphore_mem>>) src(%dma_wait3A_203 : memref<10240xf32, #tpu.memory_space<vmem>>) dst(%dma_wait3A_201 : memref<10240xf32, #tpu.memory_space<hbm>>)
      } else {
      }
      %parallel_loop3A_173 = arith.constant 0 : i32
      %parallel_loop3A_174 = arith.constant 10 : i32
      %parallel_loop3A_175 = arith.constant 1 : i32
      scf.for %parallel_loop3A_192 = %parallel_loop3A_173 to %parallel_loop3A_174 step %parallel_loop3A_175  : i32 {
        %parallel_loop3A_193 = arith.constant 16 : i32
        %parallel_loop3A_194 = arith.muli %parallel_loop3A_192, %parallel_loop3A_193 : i32
        %parallel_loop3A_195 = arith.constant 160 : i32
        %parallel_loop3A_196 = arith.addi %parallel_loop3A_195, %parallel_loop3A_194 : i32
        %parallel_loop3A_197 = arith.constant 16 : i32
        %parallel_loop3A_198 = arith.muli %parallel_loop3A_192, %parallel_loop3A_197 : i32
        %parallel_loop3A_199 = vector.broadcast %parallel_loop3A_198 : i32 to vector<16xi32>
        %parallel_loop3A_200 = arith.addi %parallel_loop3A_199, %iota3A : vector<16xi32>
        %parallel_loop3A_201 = arith.index_cast %parallel_loop3A_196 : i32 to index
        %parallel_loop3A_202 = tpu.vector_load %arg13[%parallel_loop3A_201] {strides = array<i32>} : memref<320xi32, #tpu.memory_space<vmem>>, vector<16xi32>,
        %parallel_loop3A_203 = arith.index_cast %parallel_loop3A_196 : i32 to index
        %parallel_loop3A_204 = tpu.vector_load %arg15[%parallel_loop3A_203] {strides = array<i32>} : memref<320xi32, #tpu.memory_space<vmem>>, vector<16xi32>,
        %parallel_loop3A_205 = arith.index_cast %parallel_loop3A_196 : i32 to index
        %parallel_loop3A_206 = tpu.vector_load %arg16[%parallel_loop3A_205] {strides = array<i32>} : memref<320xf32, #tpu.memory_space<vmem>>, vector<16xf32>,
        %parallel_loop3A_207 = arith.constant 6 : i32
        %parallel_loop3A_208 = vector.broadcast %parallel_loop3A_207 : i32 to vector<16xi32>
        %parallel_loop3A_209 = arith.muli %parallel_loop3A_200, %parallel_loop3A_208 : vector<16xi32>
        %parallel_loop3A_210 = arith.constant 960 : i32
        %parallel_loop3A_211 = tpu.memref_slice %arg14[%parallel_loop3A_210] : memref<1920xi32, #tpu.memory_space<vmem>> -> memref<960xi32, #tpu.memory_space<vmem>>
        %parallel_loop3A_212 = tpu.vector_load_idx %parallel_loop3A_211[%parallel_loop3A_209] : memref<960xi32, #tpu.memory_space<vmem>>[vector<16xi32>], vector<16xi32>,
        %parallel_loop3A_213 = arith.constant 1 : i32
        %parallel_loop3A_214 = vector.broadcast %parallel_loop3A_213 : i32 to vector<16xi32>
        %parallel_loop3A_215 = arith.addi %parallel_loop3A_209, %parallel_loop3A_214 : vector<16xi32>
        %parallel_loop3A_216 = arith.constant 960 : i32
        %parallel_loop3A_217 = tpu.memref_slice %arg14[%parallel_loop3A_216] : memref<1920xi32, #tpu.memory_space<vmem>> -> memref<960xi32, #tpu.memory_space<vmem>>
        %parallel_loop3A_218 = tpu.vector_load_idx %parallel_loop3A_217[%parallel_loop3A_215] : memref<960xi32, #tpu.memory_space<vmem>>[vector<16xi32>], vector<16xi32>,
        %parallel_loop3A_219 = arith.constant 2 : i32
        %parallel_loop3A_220 = vector.broadcast %parallel_loop3A_219 : i32 to vector<16xi32>
        %parallel_loop3A_221 = arith.addi %parallel_loop3A_209, %parallel_loop3A_220 : vector<16xi32>
        %parallel_loop3A_222 = arith.constant 960 : i32
        %parallel_loop3A_223 = tpu.memref_slice %arg14[%parallel_loop3A_222] : memref<1920xi32, #tpu.memory_space<vmem>> -> memref<960xi32, #tpu.memory_space<vmem>>
        %parallel_loop3A_224 = tpu.vector_load_idx %parallel_loop3A_223[%parallel_loop3A_221] : memref<960xi32, #tpu.memory_space<vmem>>[vector<16xi32>], vector<16xi32>,
        %parallel_loop3A_225 = arith.constant 3 : i32
        %parallel_loop3A_226 = vector.broadcast %parallel_loop3A_225 : i32 to vector<16xi32>
        %parallel_loop3A_227 = arith.addi %parallel_loop3A_209, %parallel_loop3A_226 : vector<16xi32>
        %parallel_loop3A_228 = arith.constant 960 : i32
        %parallel_loop3A_229 = tpu.memref_slice %arg14[%parallel_loop3A_228] : memref<1920xi32, #tpu.memory_space<vmem>> -> memref<960xi32, #tpu.memory_space<vmem>>
        %parallel_loop3A_230 = tpu.vector_load_idx %parallel_loop3A_229[%parallel_loop3A_227] : memref<960xi32, #tpu.memory_space<vmem>>[vector<16xi32>], vector<16xi32>,
        %parallel_loop3A_231 = arith.constant 4 : i32
        %parallel_loop3A_232 = vector.broadcast %parallel_loop3A_231 : i32 to vector<16xi32>
        %parallel_loop3A_233 = arith.addi %parallel_loop3A_209, %parallel_loop3A_232 : vector<16xi32>
        %parallel_loop3A_234 = arith.constant 960 : i32
        %parallel_loop3A_235 = tpu.memref_slice %arg14[%parallel_loop3A_234] : memref<1920xi32, #tpu.memory_space<vmem>> -> memref<960xi32, #tpu.memory_space<vmem>>
        %parallel_loop3A_236 = tpu.vector_load_idx %parallel_loop3A_235[%parallel_loop3A_233] : memref<960xi32, #tpu.memory_space<vmem>>[vector<16xi32>], vector<16xi32>,
        %parallel_loop3A_237 = arith.constant 5 : i32
        %parallel_loop3A_238 = vector.broadcast %parallel_loop3A_237 : i32 to vector<16xi32>
        %parallel_loop3A_239 = arith.addi %parallel_loop3A_209, %parallel_loop3A_238 : vector<16xi32>
        %parallel_loop3A_240 = arith.constant 960 : i32
        %parallel_loop3A_241 = tpu.memref_slice %arg14[%parallel_loop3A_240] : memref<1920xi32, #tpu.memory_space<vmem>> -> memref<960xi32, #tpu.memory_space<vmem>>
        %parallel_loop3A_242 = tpu.vector_load_idx %parallel_loop3A_241[%parallel_loop3A_239] : memref<960xi32, #tpu.memory_space<vmem>>[vector<16xi32>], vector<16xi32>,
        %parallel_loop3A_243 = arith.constant 2 : i32
        %parallel_loop3A_244 = vector.broadcast %parallel_loop3A_243 : i32 to vector<16xi32>
        %parallel_loop3A_245 = arith.cmpi eq, %parallel_loop3A_204, %parallel_loop3A_244 : vector<16xi32>
        %parallel_loop3A_246 = arith.constant 33000 : i32
        %parallel_loop3A_247 = vector.broadcast %parallel_loop3A_246 : i32 to vector<16xi32>
        %parallel_loop3A_248 = arith.constant 33 : i32
        %parallel_loop3A_249 = vector.broadcast %parallel_loop3A_248 : i32 to vector<16xi32>
        %parallel_loop3A_250 = arith.muli %parallel_loop3A_202, %parallel_loop3A_249 : vector<16xi32>
        %parallel_loop3A_251 = arith.constant 10 : i32
        %parallel_loop3A_252 = vector.broadcast %parallel_loop3A_251 : i32 to vector<16xi32>
        %parallel_loop3A_253 = arith.muli %parallel_loop3A_212, %parallel_loop3A_252 : vector<16xi32>
        %parallel_loop3A_254 = arith.addi %parallel_loop3A_253, %parallel_loop3A_218 : vector<16xi32>
        %parallel_loop3A_255 = arith.constant 10 : i32
        %parallel_loop3A_256 = vector.broadcast %parallel_loop3A_255 : i32 to vector<16xi32>
        %parallel_loop3A_257 = arith.muli %parallel_loop3A_254, %parallel_loop3A_256 : vector<16xi32>
        %parallel_loop3A_258 = arith.addi %parallel_loop3A_257, %parallel_loop3A_224 : vector<16xi32>
        %parallel_loop3A_259 = arith.constant 33 : i32
        %parallel_loop3A_260 = vector.broadcast %parallel_loop3A_259 : i32 to vector<16xi32>
        %parallel_loop3A_261 = arith.muli %parallel_loop3A_258, %parallel_loop3A_260 : vector<16xi32>
        %parallel_loop3A_262 = arith.select %parallel_loop3A_245, %parallel_loop3A_247, %parallel_loop3A_261 : vector<16xi1>, vector<16xi32>
        %parallel_loop3A_263 = arith.constant 10 : i32
        %parallel_loop3A_264 = vector.broadcast %parallel_loop3A_263 : i32 to vector<16xi32>
        %parallel_loop3A_265 = arith.muli %parallel_loop3A_230, %parallel_loop3A_264 : vector<16xi32>
        %parallel_loop3A_266 = arith.addi %parallel_loop3A_265, %parallel_loop3A_236 : vector<16xi32>
        %parallel_loop3A_267 = arith.constant 10 : i32
        %parallel_loop3A_268 = vector.broadcast %parallel_loop3A_267 : i32 to vector<16xi32>
        %parallel_loop3A_269 = arith.muli %parallel_loop3A_266, %parallel_loop3A_268 : vector<16xi32>
        %parallel_loop3A_270 = arith.addi %parallel_loop3A_269, %parallel_loop3A_242 : vector<16xi32>
        %parallel_loop3A_271 = arith.constant 33 : i32
        %parallel_loop3A_272 = vector.broadcast %parallel_loop3A_271 : i32 to vector<16xi32>
        %parallel_loop3A_273 = arith.muli %parallel_loop3A_270, %parallel_loop3A_272 : vector<16xi32>
        %parallel_loop3A_274 = arith.select %parallel_loop3A_245, %parallel_loop3A_247, %parallel_loop3A_273 : vector<16xi1>, vector<16xi32>
        %parallel_loop3A_275 = arith.constant 64 : i32
        %parallel_loop3A_276 = vector.broadcast %parallel_loop3A_275 : i32 to vector<16xi32>
        %parallel_loop3A_277 = arith.muli %parallel_loop3A_200, %parallel_loop3A_276 : vector<16xi32>
        %parallel_loop3A_278 = arith.constant 1.000000e+00 : f32
        %parallel_loop3A_279 = vector.broadcast %parallel_loop3A_278 : f32 to vector<16xf32>
        %parallel_loop3A_280 = arith.select %parallel_loop3A_245, %parallel_loop3A_206, %parallel_loop3A_279 : vector<16xi1>, vector<16xf32>
        %parallel_loop3A_281 = tpu.pack_subelements %parallel_loop3A_280, %parallel_loop3A_280 {pack_format = #tpu.pack_format<interleaved>, positions = array<i32: 0, 1>} : vector<16xf32>, vector<16xf32> -> vector<32xbf16>
        %parallel_loop3A_282 = arith.constant 0 : i32
        %parallel_loop3A_283 = arith.constant 32 : i32
        %parallel_loop3A_284 = arith.constant 1 : i32
        scf.for %parallel_loop3A_285 = %parallel_loop3A_282 to %parallel_loop3A_283 step %parallel_loop3A_284  : i32 {
          %parallel_loop3A_286 = vector.broadcast %parallel_loop3A_285 : i32 to vector<16xi32>
          %parallel_loop3A_287 = arith.addi %iota3A, %parallel_loop3A_286 : vector<16xi32>
          %parallel_loop3A_288 = arith.constant 31 : i32
          %parallel_loop3A_289 = vector.broadcast %parallel_loop3A_288 : i32 to vector<16xi32>
          %parallel_loop3A_290 = arith.andi %parallel_loop3A_287, %parallel_loop3A_289 : vector<16xi32>
          %parallel_loop3A_291 = arith.addi %parallel_loop3A_250, %parallel_loop3A_290 : vector<16xi32>
          %parallel_loop3A_292 = tpu.vector_load_idx %arg10[%parallel_loop3A_291] : memref<34716xi32, #tpu.memory_space<vmem>>[vector<16xi32>], vector<16xi32>,
          %parallel_loop3A_293 = arith.addi %parallel_loop3A_262, %parallel_loop3A_290 : vector<16xi32>
          %parallel_loop3A_294 = tpu.vector_load_idx %arg11[%parallel_loop3A_293] : memref<33033xi32, #tpu.memory_space<vmem>>[vector<16xi32>], vector<16xi32>,
          %parallel_loop3A_295 = arith.addi %parallel_loop3A_274, %parallel_loop3A_290 : vector<16xi32>
          %parallel_loop3A_296 = tpu.vector_load_idx %arg12[%parallel_loop3A_295] : memref<33033xi32, #tpu.memory_space<vmem>>[vector<16xi32>], vector<16xi32>,
          %parallel_loop3A_297 = vector.bitcast %parallel_loop3A_292 : vector<16xi32> to vector<32xbf16>
          %parallel_loop3A_298 = vector.bitcast %parallel_loop3A_294 : vector<16xi32> to vector<32xbf16>
          %parallel_loop3A_299 = vector.bitcast %parallel_loop3A_296 : vector<16xi32> to vector<32xbf16>
          %parallel_loop3A_300 = arith.mulf %parallel_loop3A_297, %parallel_loop3A_281 : vector<32xbf16>
          %parallel_loop3A_301 = arith.addf %parallel_loop3A_298, %parallel_loop3A_299 : vector<32xbf16>
          %parallel_loop3A_302 = arith.addf %parallel_loop3A_300, %parallel_loop3A_301 : vector<32xbf16>
          %parallel_loop3A_303 = tpu.unpack_subelements %parallel_loop3A_302, 0 {pack_format = #tpu.pack_format<interleaved>} : vector<32xbf16> -> vector<16xf32>
          %parallel_loop3A_304 = tpu.unpack_subelements %parallel_loop3A_302, 1 {pack_format = #tpu.pack_format<interleaved>} : vector<32xbf16> -> vector<16xf32>
          %parallel_loop3A_305 = arith.addi %parallel_loop3A_290, %parallel_loop3A_290 : vector<16xi32>
          %parallel_loop3A_306 = arith.addi %parallel_loop3A_277, %parallel_loop3A_305 : vector<16xi32>
          %parallel_loop3A_307 = arith.constant 10240 : i32
          %parallel_loop3A_308 = tpu.memref_slice %arg17[%parallel_loop3A_307] : memref<20480xf32, #tpu.memory_space<vmem>> -> memref<10240xf32, #tpu.memory_space<vmem>>
          tpu.vector_store_idx %parallel_loop3A_308[%parallel_loop3A_306], %parallel_loop3A_303 : memref<10240xf32, #tpu.memory_space<vmem>>[vector<16xi32>], vector<16xf32>,
          %parallel_loop3A_309 = arith.constant 1 : i32
          %parallel_loop3A_310 = vector.broadcast %parallel_loop3A_309 : i32 to vector<16xi32>
          %parallel_loop3A_311 = arith.addi %parallel_loop3A_306, %parallel_loop3A_310 : vector<16xi32>
          %parallel_loop3A_312 = arith.constant 10240 : i32
          %parallel_loop3A_313 = tpu.memref_slice %arg17[%parallel_loop3A_312] : memref<20480xf32, #tpu.memory_space<vmem>> -> memref<10240xf32, #tpu.memory_space<vmem>>
          tpu.vector_store_idx %parallel_loop3A_313[%parallel_loop3A_311], %parallel_loop3A_304 : memref<10240xf32, #tpu.memory_space<vmem>>[vector<16xi32>], vector<16xf32>,
        } {sc.loop_unroll_factor = 4 : i64, sc.parallel_access}
      } {sc.loop_unroll_factor = 2 : i64, sc.parallel_access}
      %mul3A_176 = arith.constant 160 : i32
      %mul3A_177 = arith.muli %add3A_138, %mul3A_176 : i32
      %add3A_178 = arith.addi %mul3A_2, %mul3A_177 : i32
      %mul3A_179 = arith.constant 64 : i32
      %mul3A_180 = arith.muli %add3A_178, %mul3A_179 : i32
      %dma_start3A_181 = arith.constant 10240 : i32
      %dma_start3A_182 = tpu.memref_slice %arg17[%dma_start3A_181] : memref<20480xf32, #tpu.memory_space<vmem>> -> memref<10240xf32, #tpu.memory_space<vmem>>
      %dma_start3A_183 = tpu.memref_slice %arg9[%mul3A_180] : memref<52428800xf32, #tpu.memory_space<hbm>> -> memref<10240xf32, #tpu.memory_space<hbm>>
      %dma_start3A_184 = tpu.memref_slice %arg9[%mul3A_180] : memref<52428800xf32, #tpu.memory_space<hbm>> -> memref<10240xf32, #tpu.memory_space<hbm>>
      %dma_start3A_185 = arith.constant 10240 : i32
      %dma_start3A_186 = tpu.memref_slice %arg17[%dma_start3A_185] : memref<20480xf32, #tpu.memory_space<vmem>> -> memref<10240xf32, #tpu.memory_space<vmem>>
      tpu.enqueue_dma source(%dma_start3A_186 : memref<10240xf32, #tpu.memory_space<vmem>>) target(%dma_start3A_184 : memref<10240xf32, #tpu.memory_space<hbm>>) target_semaphore(%arg21 : memref<!tpu.dma_semaphore, #tpu.memory_space<semaphore_mem>>)
      %lt3A_187 = arith.constant 79 : i32
      %lt3A_188 = arith.cmpi slt, %scan3A_82, %lt3A_187 : i32
      %convert_element_type3A_189 = arith.extui %lt3A_188 : i1 to i32
      %cond3A_190 = arith.constant 0 : i32
      %cond3A_191 = arith.cmpi ne, %convert_element_type3A_189, %cond3A_190 : i32
      scf.if %cond3A_191 {
        %add3A_192 = arith.constant 2 : i32
        %add3A_193 = arith.addi %add3A_138, %add3A_192 : i32
        %mul3A_194 = arith.constant 160 : i32
        %mul3A_195 = arith.muli %add3A_193, %mul3A_194 : i32
        %add3A_196 = arith.addi %mul3A_2, %mul3A_195 : i32
        %mul3A_197 = arith.constant 6 : i32
        %mul3A_198 = arith.muli %add3A_196, %mul3A_197 : i32
        %dma_start3A_199 = arith.constant 160 : i32
        %dma_start3A_200 = tpu.memref_slice %arg13[%dma_start3A_199] : memref<320xi32, #tpu.memory_space<vmem>> -> memref<160xi32, #tpu.memory_space<vmem>>
        %dma_start3A_201 = tpu.memref_slice %arg2[%add3A_196] : memref<819200xi32, #tpu.memory_space<hbm>> -> memref<160xi32, #tpu.memory_space<hbm>>
        %dma_start3A_202 = arith.constant 160 : i32
        %dma_start3A_203 = tpu.memref_slice %arg13[%dma_start3A_202] : memref<320xi32, #tpu.memory_space<vmem>> -> memref<160xi32, #tpu.memory_space<vmem>>
        %dma_start3A_204 = tpu.memref_slice %arg2[%add3A_196] : memref<819200xi32, #tpu.memory_space<hbm>> -> memref<160xi32, #tpu.memory_space<hbm>>
        tpu.enqueue_dma source(%dma_start3A_204 : memref<160xi32, #tpu.memory_space<hbm>>) target(%dma_start3A_203 : memref<160xi32, #tpu.memory_space<vmem>>) target_semaphore(%arg19 : memref<!tpu.dma_semaphore, #tpu.memory_space<semaphore_mem>>)
        %dma_start3A_205 = arith.constant 960 : i32
        %dma_start3A_206 = tpu.memref_slice %arg14[%dma_start3A_205] : memref<1920xi32, #tpu.memory_space<vmem>> -> memref<960xi32, #tpu.memory_space<vmem>>
        %dma_start3A_207 = tpu.memref_slice %arg3[%mul3A_198] : memref<4915200xi32, #tpu.memory_space<hbm>> -> memref<960xi32, #tpu.memory_space<hbm>>
        %dma_start3A_208 = arith.constant 960 : i32
        %dma_start3A_209 = tpu.memref_slice %arg14[%dma_start3A_208] : memref<1920xi32, #tpu.memory_space<vmem>> -> memref<960xi32, #tpu.memory_space<vmem>>
        %dma_start3A_210 = tpu.memref_slice %arg3[%mul3A_198] : memref<4915200xi32, #tpu.memory_space<hbm>> -> memref<960xi32, #tpu.memory_space<hbm>>
        tpu.enqueue_dma source(%dma_start3A_210 : memref<960xi32, #tpu.memory_space<hbm>>) target(%dma_start3A_209 : memref<960xi32, #tpu.memory_space<vmem>>) target_semaphore(%arg19 : memref<!tpu.dma_semaphore, #tpu.memory_space<semaphore_mem>>)
        %dma_start3A_211 = arith.constant 160 : i32
        %dma_start3A_212 = tpu.memref_slice %arg15[%dma_start3A_211] : memref<320xi32, #tpu.memory_space<vmem>> -> memref<160xi32, #tpu.memory_space<vmem>>
        %dma_start3A_213 = tpu.memref_slice %arg4[%add3A_196] : memref<819200xi32, #tpu.memory_space<hbm>> -> memref<160xi32, #tpu.memory_space<hbm>>
        %dma_start3A_214 = arith.constant 160 : i32
        %dma_start3A_215 = tpu.memref_slice %arg15[%dma_start3A_214] : memref<320xi32, #tpu.memory_space<vmem>> -> memref<160xi32, #tpu.memory_space<vmem>>
        %dma_start3A_216 = tpu.memref_slice %arg4[%add3A_196] : memref<819200xi32, #tpu.memory_space<hbm>> -> memref<160xi32, #tpu.memory_space<hbm>>
        tpu.enqueue_dma source(%dma_start3A_216 : memref<160xi32, #tpu.memory_space<hbm>>) target(%dma_start3A_215 : memref<160xi32, #tpu.memory_space<vmem>>) target_semaphore(%arg19 : memref<!tpu.dma_semaphore, #tpu.memory_space<semaphore_mem>>)
        %dma_start3A_217 = arith.constant 160 : i32
        %dma_start3A_218 = tpu.memref_slice %arg16[%dma_start3A_217] : memref<320xf32, #tpu.memory_space<vmem>> -> memref<160xf32, #tpu.memory_space<vmem>>
        %dma_start3A_219 = tpu.memref_slice %arg5[%add3A_196] : memref<819200xf32, #tpu.memory_space<hbm>> -> memref<160xf32, #tpu.memory_space<hbm>>
        %dma_start3A_220 = arith.constant 160 : i32
        %dma_start3A_221 = tpu.memref_slice %arg16[%dma_start3A_220] : memref<320xf32, #tpu.memory_space<vmem>> -> memref<160xf32, #tpu.memory_space<vmem>>
        %dma_start3A_222 = tpu.memref_slice %arg5[%add3A_196] : memref<819200xf32, #tpu.memory_space<hbm>> -> memref<160xf32, #tpu.memory_space<hbm>>
        tpu.enqueue_dma source(%dma_start3A_222 : memref<160xf32, #tpu.memory_space<hbm>>) target(%dma_start3A_221 : memref<160xf32, #tpu.memory_space<vmem>>) target_semaphore(%arg19 : memref<!tpu.dma_semaphore, #tpu.memory_space<semaphore_mem>>)
      } else {
      }
    }
    %scan3A_62 = arith.constant 80 : i32
    %add3A_63 = arith.constant 25280 : i32
    %add3A_64 = arith.addi %mul3A_2, %add3A_63 : i32
    %mul3A_65 = arith.constant 64 : i32
    %mul3A_66 = arith.muli %add3A_64, %mul3A_65 : i32
    %dma_wait3A = arith.constant 0 : i32
    %dma_wait3A_67 = tpu.memref_slice %arg17[%dma_wait3A] : memref<20480xf32, #tpu.memory_space<vmem>> -> memref<10240xf32, #tpu.memory_space<vmem>>
    %dma_wait3A_68 = tpu.memref_slice %arg9[%mul3A_66] : memref<52428800xf32, #tpu.memory_space<hbm>> -> memref<10240xf32, #tpu.memory_space<hbm>>
    %dma_wait3A_69 = tpu.memref_slice %arg9[%mul3A_66] : memref<52428800xf32, #tpu.memory_space<hbm>> -> memref<10240xf32, #tpu.memory_space<hbm>>
    %dma_wait3A_70 = arith.constant 0 : i32
    %dma_wait3A_71 = tpu.memref_slice %arg17[%dma_wait3A_70] : memref<20480xf32, #tpu.memory_space<vmem>> -> memref<10240xf32, #tpu.memory_space<vmem>>
    tpu.wait_dma2 semaphore(%arg20 : memref<!tpu.dma_semaphore, #tpu.memory_space<semaphore_mem>>) src(%dma_wait3A_71 : memref<10240xf32, #tpu.memory_space<vmem>>) dst(%dma_wait3A_69 : memref<10240xf32, #tpu.memory_space<hbm>>)
    %add3A_72 = arith.constant 25440 : i32
    %add3A_73 = arith.addi %mul3A_2, %add3A_72 : i32
    %mul3A_74 = arith.constant 64 : i32
    %mul3A_75 = arith.muli %add3A_73, %mul3A_74 : i32
    %dma_wait3A_76 = arith.constant 10240 : i32
    %dma_wait3A_77 = tpu.memref_slice %arg17[%dma_wait3A_76] : memref<20480xf32, #tpu.memory_space<vmem>> -> memref<10240xf32, #tpu.memory_space<vmem>>
    %dma_wait3A_78 = tpu.memref_slice %arg9[%mul3A_75] : memref<52428800xf32, #tpu.memory_space<hbm>> -> memref<10240xf32, #tpu.memory_space<hbm>>
    %dma_wait3A_79 = tpu.memref_slice %arg9[%mul3A_75] : memref<52428800xf32, #tpu.memory_space<hbm>> -> memref<10240xf32, #tpu.memory_space<hbm>>
    %dma_wait3A_80 = arith.constant 10240 : i32
    %dma_wait3A_81 = tpu.memref_slice %arg17[%dma_wait3A_80] : memref<20480xf32, #tpu.memory_space<vmem>> -> memref<10240xf32, #tpu.memory_space<vmem>>
    tpu.wait_dma2 semaphore(%arg21 : memref<!tpu.dma_semaphore, #tpu.memory_space<semaphore_mem>>) src(%dma_wait3A_81 : memref<10240xf32, #tpu.memory_space<vmem>>) dst(%dma_wait3A_79 : memref<10240xf32, #tpu.memory_space<hbm>>)
    return
  }
}

</mosaic_0001>

<sc_bundles>
// kernel: kernel.3.cloned.1.call-start
scs
__scs_entry_jumppad:
0x0: {  	(pc) =	sbr.rel $0x88, $3  }
0x1: {  	(tag) =	ssettag $0x0;
	lr =	simm.s32 $0x1  }
0x2: {  	[smem:$0x3F9A] =	sst lr;
	_ =	strace $0xD0000000  }
0x3: {  	_ = 	snop  }
0x4: {  	_ = 	snop  }
0x5: {  	_ = 	snop  }
0x6: {  	_ = 	snop  }
0x7: {  	_ = 	snop  }
__scs_overlays_trampoline_lowered:
0x8: {  	[smem:$0x3FA9] =	sst s0  }
0x9: {  	[smem:$0x3FAA] =	sst s1  }
0xa: {  	[smem:$0x3FAB] =	sst s2  }
0xb: {  	[smem:$0x3FAC] =	sst s3  }
0xc: {  	[smem:$0x3FAD] =	sst s4  }
0xd: {  	[smem:$0x3FAE] =	sst s5  }
0xe: {  	[smem:$0x3FAF] =	sst s6  }
0xf: {  	[smem:$0x3FB0] =	sst s7  }
0x10: {  	[smem:$0x3FB1] =	sst s8  }
0x11: {  	[smem:$0x3FB2] =	sst s9;
	s0 =	simm.s32 @!p0 $0x0  }
0x12: {  	s1 =	sld [smem:$0x3F98];
	s0 =	simm.s32 @p0 $0x1  }
0x13: {  	[smem:$0x3FB3] =	sst s0;
	s0 =	simm.s32 @!p1 $0x0  }
0x14: {  	s2 =	sld [smem:$0x3F97];
	s0 =	simm.s32 @p1 $0x1  }
0x15: {  	[smem:$0x3FB4] =	sst s0;
	s0 =	simm.s32 @!p2 $0x0  }
0x16: {  	s3 =	sld [smem:$0x3FDB];
	s0 =	simm.s32 @p2 $0x1  }
0x17: {  	s4 =	simm.s32 $0x1BF5;
	[smem:$0x3FB6] =	sst s0  }
0x18: {  	s0 =	sld [smem:$0x3F99];
	_ =	swait.ge [sflag:s4], $0x0  }
0x19: {  	s7 =	sld [smem:$0x3F9A]  }
0x1a: {  	s8 =	sadd.s32 $0xFFFFE003, lr  }
0x1b: {  	s9 =	sadd.s32 $0xFFFFFEF7, lr;
	s5 =	simm.s32 $0xFFFFFFFF;
	p2 =	slt.u32 s8, $0xFFFFF086  }
0x1c: {  	p1 =	slt.u32 s9, $0xF7A;
	s5 =	simm.s32 @!p2 $0x0  }
0x1d: {  	s5 =	simm.s32 @p1 $0x1;
	p0 =	seq.s32 s7, s2  }
0x1e: {  	s7 =	smul.u32 @!p0 $0xF7A, s2;
	p2 =	seq.s32 @!p0 s5, $0x0  }
0x1f: {  	s9 =	smul.u32 $0xF7A, s1;
	s8 =	simm.s32 @!p0 $0x1BF5;
	p2 =	por !p2, p0  }
0x20: {  	[sflag:s8] =	ssyncset.s32 @!p0 $0xFFFFF086;
	s6 =	sadd.s32 @!p0 s3, s7;
	s7 =	simm.s32 @!p0 $0x108  }
0x21: {  	s3 =	sadd.s32 s3, s9;
	s6 =	sadd.s32 @!p0 $0x88, s6;
	s7 =	simm.s32 @p2 $0x1082  }
0x22: {  	[simem:s7], [sflag:s8] =	dma.local @!p0 [hbm:s6], $0xF7A  }
0x23: {  	s9 =	sor.u32 $0xD0000000, s2;
	s6 =	simm.s32 $0x108;
	_ =	swait.ge @!p0 [sflag:s8], $0x0  }
0x24: {  	s3 =	sadd.s32 $0x88, s3;
	s6 =	simm.s32 @!p1 $0x1082;
	[sflag:s4] =	ssyncset.s32 $0xFFFFF086  }
0x25: {  	[simem:s6], [sflag:s4] =	dma.local [hbm:s3], $0xF7A  }
0x26: {  	[smem:$0x3F9A] =	sst s1;
	(tag) =	ssettag s2;
	_ =	strace s9  }
0x27: {  	s1 =	sld [smem:$0x3FAA]  }
0x28: {  	s2 =	sld [smem:$0x3FAB]  }
0x29: {  	s4 =	sld [smem:$0x3FAD]  }
0x2a: {  	p0 =	seq.s32 s5, $0x0;
	s5 =	sld [smem:$0x3FAE]  }
0x2b: {  	s6 =	sld [smem:$0x3FAF]  }
0x2c: {  	s7 =	sld [smem:$0x3FB0]  }
0x2d: {  	s3 =	simm.s32 $0x108;
	s8 =	sld [smem:$0x3FB1]  }
0x2e: {  	s3 =	simm.s32 @!p0 $0x1082;
	s9 =	sld [smem:$0x3FB2]  }
0x2f: {  	lr =	sadd.s32 s0, s3;
	s0 =	sld [smem:$0x3FA9]  }
0x30: {  	s3 =	sld [smem:$0x3FAC]  }
0x31: {  	[smem:$0x3FB5] =	sst s10  }
0x32: {  	s10 =	sld [smem:$0x3FB3];
	_ =	sdelay $0x3  }
0x33: {  	p0 =	seq.s32 s10, $0x1;
	s10 =	sld [smem:$0x3FB5];
	_ =	sdelay $0x3  }
0x34: {  	[smem:$0x3FB5] =	sst s10  }
0x35: {  	s10 =	sld [smem:$0x3FB4];
	_ =	sdelay $0x3  }
0x36: {  	p1 =	seq.s32 s10, $0x1;
	s10 =	sld [smem:$0x3FB5];
	_ =	sdelay $0x3  }
0x37: {  	[smem:$0x3FB5] =	sst s10  }
0x38: {  	s10 =	sld [smem:$0x3FB6]  }
0x39: {  	_ = 	snop;
	(pc) =	sbr.ind lr, $3  }
0x3a: {  	_ = 	snop  }
0x3b: {  	_ = 	snop  }
0x3c: {  	p2 =	seq.s32 s10, $0x1;
	s10 =	sld [smem:$0x3FB5]  }
0x3d: {  	_ =	shalt  }
0x3e: {  	_ =	shalt  }
0x3f: {  	_ =	shalt  }
0x40: {  	_ =	shalt  }
0x41: {  	_ =	shalt  }
0x42: {  	_ =	shalt  }
0x43: {  	_ =	shalt  }
0x44: {  	_ =	shalt  }
0x45: {  	_ =	shalt  }
0x46: {  	_ =	shalt  }
0x47: {  	_ =	shalt  }
0x48: {  	_ =	shalt  }
0x49: {  	_ =	shalt  }
0x4a: {  	_ =	shalt  }
0x4b: {  	_ =	shalt  }
0x4c: {  	_ =	shalt  }
0x4d: {  	_ =	shalt  }
0x4e: {  	_ =	shalt  }
0x4f: {  	_ =	shalt  }
0x50: {  	_ =	shalt  }
0x51: {  	_ =	shalt  }
0x52: {  	_ =	shalt  }
0x53: {  	_ =	shalt  }
0x54: {  	_ =	shalt  }
0x55: {  	_ =	shalt  }
0x56: {  	_ =	shalt  }
0x57: {  	_ =	shalt  }
0x58: {  	_ =	shalt  }
0x59: {  	_ =	shalt  }
0x5a: {  	_ =	shalt  }
0x5b: {  	_ =	shalt  }
0x5c: {  	_ =	shalt  }
0x5d: {  	_ =	shalt  }
0x5e: {  	_ =	shalt  }
0x5f: {  	_ =	shalt  }
0x60: {  	_ =	shalt  }
0x61: {  	_ =	shalt  }
0x62: {  	_ =	shalt  }
0x63: {  	_ =	shalt  }
0x64: {  	_ =	shalt  }
0x65: {  	_ =	shalt  }
0x66: {  	_ =	shalt  }
0x67: {  	_ =	shalt  }
0x68: {  	_ =	shalt  }
0x69: {  	_ =	shalt  }
0x6a: {  	_ =	shalt  }
0x6b: {  	_ =	shalt  }
0x6c: {  	_ =	shalt  }
0x6d: {  	_ =	shalt  }
0x6e: {  	_ =	shalt  }
0x6f: {  	_ =	shalt  }
0x70: {  	_ =	shalt  }
0x71: {  	_ =	shalt  }
0x72: {  	_ =	shalt  }
0x73: {  	_ =	shalt  }
0x74: {  	_ =	shalt  }
0x75: {  	_ =	shalt  }
0x76: {  	_ =	shalt  }
0x77: {  	_ =	shalt  }
0x78: {  	_ =	shalt  }
0x79: {  	_ =	shalt  }
0x7a: {  	_ =	shalt  }
0x7b: {  	_ =	shalt  }
0x7c: {  	_ =	shalt  }
0x7d: {  	_ =	shalt  }
0x7e: {  	_ =	shalt  }
0x7f: {  	_ =	shalt  }
0x80: {  	_ =	shalt  }
0x81: {  	_ =	shalt  }
0x82: {  	_ =	shalt  }
0x83: {  	_ =	shalt  }
0x84: {  	_ =	shalt  }
0x85: {  	_ =	shalt  }
0x86: {  	_ =	shalt  }
0x87: {  	_ =	shalt  }
.Lfunc_end0:
.L_simem_size_0:
called_computation.1_lowered:
.L_overlay_start_0:
0x88: {  	s2 =	sld [smem:$0x3FD9]  }
0x89: {  	s3 =	sld [smem:$0x3FFE];
	_ =	sdelay $0x1  }
0x8a: {  	s1 =	srdreg.scid  }
0x8b: {  	s0 =	sand.u32 $0x1, s1  }
0x8c: {  	s17 =	sshll.u32 s0, $0xA;
	s2 =	sadd.s32 s3, s2  }
0x8d: {  	s2 =	sadd.s32 s2, s17  }
0x8e: {  	[smem:$0x3FC1] =	sst s2  }
0x8f: {  	_ = 	snop  }
0x90: {  	s2 =	sld [smem:$0x3FC9]  }
0x91: {  	s18 =	sld [smem:$0x3FC7]  }
0x92: {  	s4 =	sld [smem:$0x3FC6]  }
0x93: {  	s5 =	sld [smem:$0x3FD0];
	(tm) =	ssettm $0x1  }
0x94: {  	s6 =	sld [smem:$0x3FFB];
	_ =	sdelay $0x3  }
0x95: {  	_ =	strace s6  }
0x96: {  	s6 =	sld [smem:$0x3FFC];
	_ =	sdelay $0x3  }
0x97: {  	_ =	strace s6  }
0x98: {  	s6 =	sld [smem:$0x3FFD];
	_ =	sdelay $0x3  }
0x99: {  	_ =	strace s6  }
0x9a: {  	_ =	strace $0x8FFFFFFF  }
0x9b: {  	s19 =	sld [smem:$0x3FDB];
	_ =	sdelay $0x1  }
0x9c: {  	s7 =	simm.s32 $_scs_section_size  }
0x9d: {  	s8 =	simm.s32 $_size__tile_overlayer_lowered;
	s9 =	simm.s32 $_tile_overlayer_lowered  }
0x9e: {  	s22 =	simm.s32 $0x1BFF;
	s21 =	sshll.u32 s9, $0x1;
	s6 =	sadd.s32 s7, s19  }
0x9f: {  	s10 =	simm.s32 $0x0;
	s20 =	sshll.u32 s8, $0x1;
	s8 =	sadd.s32 s21, s6  }
0xa0: {  	[timem:s10], [sflag:s22] =	dma.local [hbm:s8], s20  }
0xa1: {  	_ =	swait.ge [sflag:s22], s20  }
0xa2: {  	s7 =	ssub.s32 $0x0, s20;
	[sflag:s22] =	ssyncset.done $0x0  }
0xa3: {  	[sflag:s22] =	ssyncadd.s32 s7;
	_ =	sdelay $0x1  }
0xa4: {  	s23 =	simm.s32 $0x1B8B  }
0xa5: {  	_ =	swait.ge [sflag:s23], $0x1  }
0xa6: {  	[sflag:s23] =	ssyncset.done $0x0  }
0xa7: {  	s25 =	simm.s32 $0x1B8E;
	s24 =	sld [smem:$0x3FFE];
	[sflag:s23] =	ssyncadd.s32 $0xFFFFFFFF  }
0xa8: {  	s26 =	simm.s32 $execute0_lowered;
	[smem:$0x3FD2] =	sst s25  }
0xa9: {  	s8 =	sshll.u32 s26, $0x1;
	_ =	strace $0x80000046;
	[dreg:$0x1] =	wrdreg $0xFFFFFFFF  }
0xaa: {  	s28 =	simm.s32 $_size_execute0_lowered;
	s6 =	sadd.s32 s6, s8;
	[dreg:$0x0] =	wrdreg $0x0  }
0xab: {  	s8 =	sshll.u32 s28, $0x1;
	[dreg:$0x2] =	wrdreg s6  }
0xac: {  	[dreg:$0x3] =	wrdreg s8  }
0xad: {  	[dreg:$0x4] =	wrdreg $0xC0  }
0xae: {  	_ =	task [dreg:s10], $0x5FFFF  }
0xaf: {  	[dreg:$0x1] =	wrdreg $0xFFFFFFFF  }
0xb0: {  	[dreg:$0x0] =	wrdreg $0x60  }
0xb1: {  	[dreg:$0x2] =	wrdreg s2  }
0xb2: {  	[dreg:$0x3] =	wrdreg s24  }
0xb3: {  	[dreg:$0x4] =	wrdreg s18  }
0xb4: {  	[dreg:$0x5] =	wrdreg s4  }
0xb5: {  	[dreg:$0x6] =	wrdreg s5  }
0xb6: {  	[dreg:$0x7] =	wrdreg $0x9  }
0xb7: {  	_ =	task.clear_ibuf [dreg:s10], $0x8FFFF;
	_ =	strace $0x90000046  }
0xb8: {  	s29 =	simm.s32 $0x9;
	_ =	strace $0x80000048  }
0xb9: {  	_ =	swait.ge [sflag:s29], $0x1  }
0xba: {  	[sflag:s29] =	ssyncadd.s32 $0xFFFFFFFF  }
0xbb: {  	_ =	strace $0x90000048  }
0xbc: {  	_ =	sfence  }
0xbd: {  	s30 =	sld [smem:$0x0];
	_ =	sdelay $0x2  }
0xbe: {  	s31 =	sshll.u32 s1, $0xD;
	s1 =	sshrl.u32 s1, $0x2  }
0xbf: {  	s3 =	sand.u32 $0x4000, s31;
	s1 =	sadd.s32 s1, s30  }
0xc0: {  	s0 =	sor.u32 s3, s0;
	s1 =	sshll.u32 s1, $0x11  }
0xc1: {  	s0 =	sor.u32 s1, s0  }
0xc2: {  	s0 =	sadd.s32 $0x8F2B, s0  }
0xc3: {  	[sflag:s0] =	ssyncadd.remote.s32 $0x1  }
0xc4: {  	_ =	sfence.sel $0xFFFF  }
0xc5: {  	[dreg:$0x0] =	wrdreg $0xFFFFFFFF;
	(pc) =	sbr.abs _section_cstart, $3  }
0xc6: {  	[dreg:$0x1] =	wrdreg $0xFFFFFFFF  }
0xc7: {  	_ =	task.clear_ibuf [dreg:s10], $0x2FFFF;
	_ =	strace $0x9FFFFFFF  }
0xc8: {  	(tm) =	ssettm $0x7FFFFFFF  }
0xc9: {  	_ =	shalt  }
tec
execute0_lowered:
.L_overlay_start_1:
0x0: {  	(tag) =	ssettag $0x1  }
0x1: {  	s1 =	rddreg [dreg:$0x0]  }
0x2: {  	s0 =	rddreg [dreg:$0x1]  }
0x3: {  	s2 =	rddreg [dreg:$0x2]  }
0x4: {  	s3 =	rddreg [dreg:$0x3]  }
0x5: {  	s5 =	rddreg [dreg:$0x4]  }
0x6: {  	s6 =	simm.s32 $0x0;
	s4 =	srdreg.scid;
	s7 =	stileid.u32  }
0x7: {  	s29 =	simm.s32 $0x18C80;
	s28 =	simm.s32 $0x194A0;
	s30 =	simm.s32 $0x19620  }
0x8: {  	s31 =	simm.s32 $0x1;
	s11 =	simm.s32 $0x1BF00;
	s14 =	simm.s32 $0x0  }
0x9: {  	[smem:$0x7FF] =	sst s6;
	s4 =	sand.u32 $0x1, s4;
	s8 =	sshll.u32 s7, $0x1  }
0xa: {  	s7 =	sadd.s32 $0xC84400, s0;
	s9 =	sadd.s32 $0xE00, s0;
	s8 =	sor.u32 s4, s8  }
0xb: {  	_ =	strace $0x80000047;
	[dreg:$0x6] =	wrdreg s9;
	s9 =	smul.u32 $0x6400, s8  }
0xc: {  	s10 =	sadd.s32 $0x3200, s0;
	s4 =	ssub.s32 $0x2, s4;
	s8 =	smul.u32 $0x4B00, s8  }
0xd: {  	s0 =	sadd.s32 $0x2000, s0;
	[dreg:$0x7] =	wrdreg s10;
	s18 =	sshrl.u32 s4, $0x1  }
0xe: {  	[dreg:$0x8] =	wrdreg s0;
	s0 =	ssub.s32 s4, s18;
	s8 =	sadd.s32 s7, s8  }
0xf: {  	s19 =	sshrl.u32 s9, $0x3;
	s0 =	smax.u32 s0, $0x1;
	[dreg:$0xa] =	wrdreg s8  }
0x10: {  	s12 =	sor.u32 $0xA0, s9;
	s20 =	sadd.s32 s1, s19;
	[dreg:$0x11] =	wrdreg s0  }
0x11: {  	s21 =	smul.u32 $0x6, s12;
	s22 =	sadd.s32 s2, s19;
	[dreg:$0x9] =	wrdreg s20  }
0x12: {  	s23 =	sshrl.u32 s12, $0x3;
	s10 =	sadd.s32 s3, s19;
	[dreg:$0xb] =	wrdreg s22  }
0x13: {  	s8 =	simm.s32 $0x19700;
	[dreg:$0xc] =	wrdreg s10;
	s24 =	sadd.s32 s1, s23  }
.Ltmp0:
0x14: {  	s25 =	sadd.s32 s2, s23;
	[dreg:$0xd] =	wrdreg s24;
	(pc) =	sbr.rel .LBB2_1-.Ltmp0, $4  }
0x15: {  	s26 =	sadd.s32 s3, s23;
	s22 =	sor.u32 $0x1E0, s9;
	[dreg:$0xf] =	wrdreg s25  }
0x16: {  	s10 =	simm.s32 $0x2;
	s4 =	sshrl.u32 s21, $0x3;
	[dreg:$0x10] =	wrdreg s26  }
0x17: {  	s21 =	sor.u32 $0x140, s9;
	s25 =	simm.s32 $0x8800;
	s4 =	sadd.s32 s7, s4  }
0x18: {  	v0 =	vlaneseq.u32;
	s26 =	simm.s32 $0x10980;
	[dreg:$0xe] =	wrdreg s4;
	s4 =	simm.s32 $0x19040  }
.LBB2_16:
0x19: {  	s0 =	simm.s32 $0x3  }
0x1a: {  	_ =	swait.ge [sflag:s0], $0x2800  }
0x1b: {  	[sflag:s0] =	ssyncset.done $0x0  }
0x1c: {  	s13 =	simm.s32 $0x4;
	[sflag:s0] =	ssyncadd.s32 $0xFFFFD800  }
0x1d: {  	_ =	swait.ge [sflag:s13], $0x2800  }
0x1e: {  	s14 =	rddreg [dreg:$0x12]  }
0x1f: {  	s24 =	rddreg [dreg:$0x11];
	s14 =	sadd.s32 $0x1, s14  }
0x20: {  	p0 =	sne.s32 s14, s24  }
.Ltmp1:
0x21: {  	_ = 	snop;
	(pc) =	sbr.rel @!p0 .LBB2_17-.Ltmp1, $3  }
0x22: {  	_ =	sdelay $0x1  }
0x23: {  	[sflag:s13] =	ssyncset.done $0x0  }
0x24: {  	[sflag:s13] =	ssyncadd.s32 $0xFFFFD800  }
.LBB2_1:
0x25: {  	[dreg:$0x12] =	wrdreg s14  }
0x26: {  	s0 =	rddreg [dreg:$0x6];
	s13 =	simm.s32 $0x5  }
0x27: {  	[tilespmem:s6], [sflag:$0x5] =	stream.linear.gather [hbm4b:s0+s6], $0x8800, $0x38;
	[tilespmem:$0x1E700] =	vst v63  }
0x28: {  	_ =	swait.ge [sflag:s13], $0x8800  }
0x29: {  	[sflag:s13] =	ssyncset.done $0x0  }
0x2a: {  	s19 =	rddreg [dreg:$0x7];
	[sflag:s13] =	ssyncadd.s32 $0xFFFF7800  }
0x2b: {  	[tilespmem:s25], [sflag:$0x5] =	stream.linear.gather [hbm4b:s19+s6], $0x8180, $0x38;
	[tilespmem:$0x1E700] =	vst v63  }
0x2c: {  	_ =	swait.ge [sflag:s13], $0x8180  }
0x2d: {  	[sflag:s13] =	ssyncset.done $0x0  }
0x2e: {  	s20 =	rddreg [dreg:$0x8];
	[sflag:s13] =	ssyncadd.s32 $0xFFFF7E80  }
0x2f: {  	[tilespmem:s26], [sflag:$0x5] =	stream.linear.gather [hbm4b:s20+s6], $0x8180, $0x38;
	[tilespmem:$0x1E700] =	vst v63  }
0x30: {  	_ =	swait.ge [sflag:s13], $0x8180  }
0x31: {  	[sflag:s13] =	ssyncset.done $0x0  }
0x32: {  	s24 =	simm.s32 $0x18B00;
	s23 =	rddreg [dreg:$0x9];
	[sflag:s13] =	ssyncadd.s32 $0xFFFF7E80  }
0x33: {  	[tilespmem:s24], [sflag:$0x1] =	stream.linear.gather [hbm4b:s23+s6], $0xA0, $0x38;
	[tilespmem:$0x1E700] =	vst v63  }
0x34: {  	s13 =	rddreg [dreg:$0xa]  }
0x35: {  	[tilespmem:s29], [sflag:$0x1] =	stream.linear.gather [hbm4b:s13+s6], $0x3C0, $0x38;
	[tilespmem:$0x1E700] =	vst v63  }
0x36: {  	s15 =	simm.s32 $0x19400;
	s14 =	rddreg [dreg:$0xb]  }
0x37: {  	[tilespmem:s15], [sflag:$0x1] =	stream.linear.gather [hbm4b:s14+s6], $0xA0, $0x38;
	[tilespmem:$0x1E700] =	vst v63  }
0x38: {  	s17 =	simm.s32 $0x19580;
	s16 =	rddreg [dreg:$0xc]  }
0x39: {  	[tilespmem:s17], [sflag:$0x1] =	stream.linear.gather [hbm4b:s16+s6], $0xA0, $0x38;
	[tilespmem:$0x1E700] =	vst v63  }
0x3a: {  	s19 =	simm.s32 $0x18BA0;
	s18 =	rddreg [dreg:$0xd]  }
0x3b: {  	[tilespmem:s19], [sflag:$0x2] =	stream.linear.gather [hbm4b:s18+s6], $0xA0, $0x38;
	[tilespmem:$0x1E700] =	vst v63  }
0x3c: {  	s20 =	rddreg [dreg:$0xe]  }
0x3d: {  	[tilespmem:s4], [sflag:$0x2] =	stream.linear.gather [hbm4b:s20+s6], $0x3C0, $0x38;
	[tilespmem:$0x1E700] =	vst v63  }
0x3e: {  	s23 =	rddreg [dreg:$0xf]  }
0x3f: {  	[tilespmem:s28], [sflag:$0x2] =	stream.linear.gather [hbm4b:s23+s6], $0xA0, $0x38;
	[tilespmem:$0x1E700] =	vst v63  }
0x40: {  	s24 =	rddreg [dreg:$0x10];
	s16 =	simm.s32 $0x0  }
0x41: {  	[tilespmem:s30], [sflag:$0x2] =	stream.linear.gather [hbm4b:s24+s6], $0xA0, $0x38;
	[tilespmem:$0x1E700] =	vst v63  }
.LBB2_2:
0x42: {  	_ =	swait.ge [sflag:s31], $0xA0  }
0x43: {  	[sflag:s31] =	ssyncset.done $0x0  }
0x44: {  	[sflag:s31] =	ssyncadd.s32 $0xFFFFFF60  }
0x45: {  	_ =	swait.ge [sflag:s31], $0x3C0  }
0x46: {  	[sflag:s31] =	ssyncset.done $0x0  }
0x47: {  	[sflag:s31] =	ssyncadd.s32 $0xFFFFFC40  }
0x48: {  	_ =	swait.ge [sflag:s31], $0xA0  }
0x49: {  	[sflag:s31] =	ssyncset.done $0x0  }
0x4a: {  	[sflag:s31] =	ssyncadd.s32 $0xFFFFFF60  }
0x4b: {  	_ =	swait.ge [sflag:s31], $0xA0  }
0x4c: {  	p0 =	seq.s32 s16, $0x0;
	[sflag:s31] =	ssyncset.done $0x0  }
0x4d: {  	s13 =	simm.s32 @!p0 $0x3;
	[sflag:s31] =	ssyncadd.s32 $0xFFFFFF60  }
0x4e: {  	s17 =	smul.u32 $0x140, s16;
	_ =	swait.ge @!p0 [sflag:s13], $0x2800  }
0x4f: {  	s19 =	simm.s32 $0x0;
	[sflag:s13] =	ssyncset.done @!p0 $0x0  }
0x50: {  	s20 =	simm.s32 $0x0;
	s18 =	sadd.s32 s9, s17;
	[sflag:s13] =	ssyncadd.s32 @!p0 $0xFFFFD800  }
.LBB2_3:
0x51: {  	s23 =	sshll.u32 s20, $0x4  }
0x52: {  	v1 =	vor.u32 s23, v0  }
0x53: {  	v2 =	vmul.u32 $0x6, v1;
	_ =	sdelay $0x1  }
0x54: {  	v3 =	vadd.s32 $0x3, v2  }
0x55: {  	v4 =	vor.u32 $0x1, v2  }
0x56: {  	v5 =	vadd.s32 $0x4, v2;
	_ =	sdelay $0x1  }
0x57: {  	v7 =	vadd.s32 $0x2, v2;
	v6 =	vld.idx.msk [tilespmem:v2+s29+$0x0], $0xffff  }
0x58: {  	v2 =	vadd.s32 $0x5, v2;
	v3 =	vld.idx.msk [tilespmem:v3+s29+$0x0], $0xffff  }
0x59: {  	v4 =	vld.idx.msk [tilespmem:v4+s29+$0x0], $0xffff  }
0x5a: {  	v5 =	vld.idx.msk [tilespmem:v5+s29+$0x0], $0xffff;
	_ =	sdelay $0x1  }
0x5b: {  	v7 =	vld.idx.msk [tilespmem:v7+s29+$0x0], $0xffff;
	v6 =	vmul.u32 $0xA, v6  }
0x5c: {  	v2 =	vld.idx.msk [tilespmem:v2+s29+$0x0], $0xffff;
	v3 =	vmul.u32 $0xA, v3  }
0x5d: {  	v8 =	vld [tilespmem:s23+$0x19400];
	v4 =	vadd.s32 v4, v6  }
0x5e: {  	v4 =	vmul.u32 $0xA, v4;
	v3 =	vadd.s32 v5, v3  }
0x5f: {  	v3 =	vmul.u32 $0xA, v3  }
0x60: {  	v6 =	vld [tilespmem:s23+$0x18B00];
	v4 =	vadd.s32 v7, v4  }
0x61: {  	s13 =	simm.s32 $0x1;
	v4 =	vmul.u32 $0x21, v4;
	v2 =	vadd.s32 v2, v3  }
0x62: {  	vm0 =	veq.s32 v8, $0x2;
	v3 =	vadd.s32 s13, v0;
	v2 =	vmul.u32 $0x21, v2  }
0x63: {  	s14 =	simm.s32 $0x3;
	v3 =	vand.u32 $0x1F, v3;
	v9 =	vsel vm0, $0x80E8, v4  }
0x64: {  	s24 =	simm.s32 $0x6;
	v13 =	vadd.s32 s14, v0;
	v5 =	vld [tilespmem:s23+$0x19580];
	v10 =	vsel vm0, $0x80E8, v2;
	v4 =	vadd.s32 v9, v3  }
0x65: {  	v20 =	vadd.s32 s24, v0;
	v11 =	vmul.u32 $0x21, v6;
	v7 =	vadd.s32 v10, v3  }
0x66: {  	s0 =	simm.s32 $0x2;
	s14 =	simm.s32 $0x7;
	v13 =	vand.u32 $0x1F, v13;
	v26 =	vand.u32 $0x1F, v20  }
0x67: {  	v20 =	vadd.s32 s14, v0;
	v2 =	vadd.s32 s0, v0;
	v12 =	vadd.s32 v11, v3  }
0x68: {  	v29 =	vand.u32 $0x1F, v20;
	v18 =	vadd.s32 v9, v13;
	v2 =	vand.u32 $0x1F, v2  }
0x69: {  	v6 =	vshll.u32 v1, $0x6;
	v1 =	vnsel vm0, $0x3F800000, v5;
	v8 =	vadd.s32 v11, v2;
	v14 =	vld.idx.msk [tilespmem:v4+s25+$0x0], $0xffff  }
0x6a: {  	v5 =	vpack.i.f32.bf16 v1, v1;
	v1 =	vand.u32 $0x3B80, v6;
	v16 =	vadd.s32 v10, v13;
	v7 =	vld.idx.msk [tilespmem:v7+s26+$0x0], $0xffff  }
0x6b: {  	v15 =	vadd.s32 v11, v13;
	v30 =	vadd.s32 v11, v26;
	v17 =	vadd.s32 v9, v2  }
0x6c: {  	v20 =	vadd.s32 v9, v26;
	v1 =	vor.u32 $0x1, v1;
	v21 =	vadd.s32 v10, v2;
	v19 =	vld.idx.msk [tilespmem:v12+s6+$0x0], $0xffff  }
0x6d: {  	v3 =	vshll.u32 v3, $0x1;
	v2 =	vshll.u32 v2, $0x1;
	v4 =	vshll.u32 v13, $0x1;
	v39 =	vld.idx.msk [tilespmem:v18+s25+$0x0], $0xffff  }
0x6e: {  	v3 =	vor.u32 v6, v3;
	v23 =	vor.u32 v6, v2;
	v2 =	vor.u32 v6, v4;
	v8 =	vld.idx.msk [tilespmem:v8+s6+$0x0], $0xffff  }
0x6f: {  	s15 =	simm.s32 $0x5;
	v4 =	vand.u32 $0x7FFFFBFE, v23;
	v28 =	vld.idx.msk [tilespmem:v16+s26+$0x0], $0xffff;
	v16 =	vadd.s32 v10, v29;
	v13 =	vadd.bf16 v7, v14  }
0x70: {  	v17 =	vld.idx.msk [tilespmem:v17+s25+$0x0], $0xffff;
	v7 =	vand.u32 $0x7E, v3;
	v14 =	vand.u32 $0x7FFFFBFE, v3;
	v3 =	vadd.s32 s15, v0  }
0x71: {  	v12 =	vand.u32 $0x7FFFFBFE, v2;
	v2 =	vand.u32 $0x7E, v2;
	v21 =	vld.idx.msk [tilespmem:v21+s26+$0x0], $0xffff;
	v3 =	vand.u32 $0x1F, v3  }
0x72: {  	v23 =	vand.u32 $0x7E, v23;
	v2 =	vor.u32 v2, v1;
	v22 =	vadd.s32 v9, v3  }
0x73: {  	v19 =	vmul.bf16 v19, v5;
	v25 =	vmul.bf16 v8, v5;
	v24 =	vadd.s32 v10, v3  }
0x74: {  	v32 =	vld.idx.msk [tilespmem:v15+s6+$0x0], $0xffff;
	v8 =	vadd.s32 s19, v0;
	v15 =	vshll.u32 v3, $0x1;
	v3 =	vadd.s32 v11, v3  }
0x75: {  	v28 =	vadd.bf16 v28, v39;
	v7 =	vor.u32 v7, v1;
	v8 =	vand.u32 $0x1F, v8  }
0x76: {  	v40 =	vadd.bf16 v21, v17;
	v27 =	vadd.bf16 v13, v19;
	v35 =	vadd.s32 v11, v8  }
0x77: {  	v19 =	vadd.s32 v11, v29;
	v13 =	vadd.s32 v9, v29;
	v33 =	vadd.s32 v9, v8;
	v31 =	vld.idx.msk [tilespmem:v22+s25+$0x0], $0xffff  }
0x78: {  	v34 =	vadd.s32 v10, v8;
	v36 =	vshll.u32 v8, $0x1;
	v15 =	vor.u32 v6, v15;
	v8 =	vld.idx.msk [tilespmem:v24+s26+$0x0], $0xffff  }
0x79: {  	v25 =	vadd.bf16 v40, v25;
	v24 =	vadd.s32 v10, v26;
	v22 =	vunpack.i.u.bf16.f32 v27;
	v38 =	vld.idx.msk [tilespmem:v3+s6+$0x0], $0xffff  }
0x7a: {  	v37 =	vld.idx.msk [tilespmem:v30+s6+$0x0], $0xffff;
	v27 =	vunpack.i.l.bf16.f32 v27;
	v3 =	vshll.u32 v26, $0x1;
	v26 =	vshll.u32 v29, $0x1  }
0x7b: {  	v29 =	vor.u32 v6, v36;
	v18 =	vor.u32 v6, v3;
	v26 =	vor.u32 v6, v26;
	v30 =	vld.idx.msk [tilespmem:v35+s6+$0x0], $0xffff  }
0x7c: {  	[tilespmem:v14+s8+$0x0] =	vst.idx.msk $0xffff, v27;
	v3 =	vand.u32 $0x7FFFFBFE, v18;
	v17 =	vand.u32 $0x7FFFFBFE, v26;
	v21 =	vand.u32 $0x7E, v26  }
0x7d: {  	v26 =	vmul.bf16 v32, v5;
	v14 =	vor.u32 v21, v1;
	v31 =	vadd.bf16 v8, v31  }
0x7e: {  	v27 =	vld.idx.msk [tilespmem:v33+s25+$0x0], $0xffff;
	v8 =	vand.u32 $0x7E, v15;
	v15 =	vand.u32 $0x7FFFFBFE, v15;
	v33 =	vmul.bf16 v38, v5  }
0x7f: {  	s14 =	simm.s32 $0x4;
	s13 =	simm.s32 $0x8;
	v32 =	vld.idx.msk [tilespmem:v34+s26+$0x0], $0xffff;
	v21 =	vor.u32 v8, v1;
	v8 =	vor.u32 v23, v1;
	v23 =	vmul.bf16 v37, v5  }
.LBB2_4:
0x80: {  	s24 =	sadd.s32 $0x1, s13;
	s15 =	sadd.s32 $0x2, s13;
	s0 =	sadd.s32 $0x3, s13;
	v34 =	vadd.s32 s14, v0;
	v31 =	vadd.bf16 v31, v33;
	v30 =	vmul.bf16 v30, v5;
	[tilespmem:v7+s8+$0x0] =	vst.idx.msk $0xffff, v22  }
0x81: {  	p1 =	slt.u32 s13, $0x1C;
	v33 =	vand.u32 $0x7FFFFBFE, v29;
	v35 =	vmovc v17;
	v36 =	vmovc v2;
	s14 =	smov.u32 s13;
	s13 =	sadd.s32 $0x4, s13;
	v38 =	vadd.s32 s24, v0;
	v22 =	vadd.s32 s15, v0  }
0x82: {  	v2 =	vmovc v14;
	v7 =	vmovc v21;
	v17 =	vand.u32 $0x1F, v38;
	v37 =	vand.u32 $0x1F, v22;
	v22 =	vand.u32 $0x7E, v29  }
0x83: {  	v29 =	vadd.s32 s0, v0;
	v14 =	vadd.s32 v9, v17;
	v21 =	vshll.u32 v17, $0x1  }
0x84: {  	v38 =	vadd.s32 v11, v17;
	v29 =	vand.u32 $0x1F, v29;
	v27 =	vadd.bf16 v32, v27  }
0x85: {  	v17 =	vadd.s32 v10, v17;
	v32 =	vadd.s32 v11, v37;
	v40 =	vor.u32 v22, v1;
	v39 =	vld.idx.msk [tilespmem:v16+s26+$0x0], $0xffff  }
0x86: {  	v16 =	vadd.s32 v10, v29;
	v27 =	vadd.bf16 v27, v30;
	v41 =	vld.idx.msk [tilespmem:v19+s6+$0x0], $0xffff;
	v19 =	vadd.s32 v11, v29  }
0x87: {  	v22 =	vand.u32 $0x1F, v34;
	v30 =	vadd.s32 v9, v29;
	v34 =	vld.idx.msk [tilespmem:v20+s25+$0x0], $0xffff;
	v20 =	vadd.s32 v9, v37  }
0x88: {  	v42 =	vadd.s32 v9, v22;
	v43 =	vadd.s32 v10, v22;
	v44 =	vld.idx.msk [tilespmem:v24+s26+$0x0], $0xffff;
	v24 =	vadd.bf16 v28, v26  }
0x89: {  	v26 =	vadd.s32 v11, v22;
	v28 =	vshll.u32 v22, $0x1;
	v22 =	vunpack.i.l.bf16.f32 v27;
	v14 =	vld.idx.msk [tilespmem:v14+s25+$0x0], $0xffff  }
0x8a: {  	v45 =	vld.idx.msk [tilespmem:v17+s26+$0x0], $0xffff;
	[tilespmem:v33+s8+$0x0] =	vst.idx.msk $0xffff, v22;
	v17 =	vunpack.i.l.bf16.f32 v25;
	v33 =	vunpack.i.u.bf16.f32 v24;
	v46 =	vunpack.i.l.bf16.f32 v24  }
0x8b: {  	v24 =	vadd.s32 v10, v37;
	v22 =	vunpack.i.u.bf16.f32 v31;
	v25 =	vunpack.i.u.bf16.f32 v25;
	v47 =	vld.idx.msk [tilespmem:v32+s6+$0x0], $0xffff;
	[tilespmem:v12+s8+$0x0] =	vst.idx.msk $0xffff, v46  }
0x8c: {  	v21 =	vor.u32 v6, v21;
	v31 =	vunpack.i.l.bf16.f32 v31;
	v32 =	vunpack.i.u.bf16.f32 v27;
	v12 =	vld.idx.msk [tilespmem:v38+s6+$0x0], $0xffff;
	[tilespmem:v4+s8+$0x0] =	vst.idx.msk $0xffff, v17  }
0x8d: {  	v38 =	vshll.u32 v37, $0x1;
	v17 =	vshll.u32 v29, $0x1;
	v29 =	vand.u32 $0x7E, v18;
	[tilespmem:v15+s8+$0x0] =	vst.idx.msk $0xffff, v31;
	v37 =	vld.idx.msk [tilespmem:v13+s25+$0x0], $0xffff;
	v13 =	vmovc v30  }
0x8e: {  	v18 =	vor.u32 v6, v38;
	v31 =	vor.u32 v6, v17;
	v34 =	vadd.bf16 v44, v34;
	v30 =	vld.idx.msk [tilespmem:v26+s6+$0x0], $0xffff  }
.Ltmp2:
0x8f: {  	v4 =	vmovc v3;
	v17 =	vand.u32 $0x7FFFFBFE, v31;
	v15 =	vand.u32 $0x7E, v31;
	v3 =	vand.u32 $0x7FFFFBFE, v18;
	v27 =	vld.idx.msk [tilespmem:v42+s25+$0x0], $0xffff;
	[tilespmem:v40+s8+$0x0] =	vst.idx.msk $0xffff, v32;
	(pc) =	sbr.rel @p1 .LBB2_4-.Ltmp2, $4  }
0x90: {  	v26 =	vand.u32 $0x7E, v21;
	v31 =	vadd.bf16 v45, v14;
	v14 =	vor.u32 v15, v1;
	[tilespmem:v36+s8+$0x0] =	vst.idx.msk $0xffff, v33  }
0x91: {  	v15 =	vand.u32 $0x7FFFFBFE, v21;
	v21 =	vor.u32 v26, v1;
	[tilespmem:v8+s8+$0x0] =	vst.idx.msk $0xffff, v25;
	v8 =	vor.u32 v29, v1  }
0x92: {  	v26 =	vmul.bf16 v41, v5;
	v33 =	vmul.bf16 v12, v5;
	v29 =	vor.u32 v6, v28;
	v32 =	vld.idx.msk [tilespmem:v43+s26+$0x0], $0xffff  }
0x93: {  	v25 =	vadd.bf16 v34, v23;
	v23 =	vmul.bf16 v47, v5;
	v12 =	vmovc v35;
	v28 =	vadd.bf16 v39, v37  }
0x94: {  	_ =	sdelay $0x2  }
0x95: {  	v34 =	vadd.s32 s14, v0  }
0x96: {  	v19 =	vld.idx.msk [tilespmem:v19+s6+$0x0], $0xffff;
	v34 =	vand.u32 $0x1F, v34  }
0x97: {  	s0 =	sor.u32 $0x10, s23;
	v20 =	vld.idx.msk [tilespmem:v20+s25+$0x0], $0xffff;
	v11 =	vadd.s32 v11, v34  }
0x98: {  	v24 =	vld.idx.msk [tilespmem:v24+s26+$0x0], $0xffff;
	v30 =	vmul.bf16 v30, v5;
	v35 =	vor.u32 s0, v0;
	v9 =	vadd.s32 v9, v34  }
0x99: {  	v31 =	vadd.bf16 v31, v33;
	v16 =	vld.idx.msk [tilespmem:v16+s26+$0x0], $0xffff;
	v36 =	vmul.u32 $0x6, v35;
	v10 =	vadd.s32 v10, v34  }
0x9a: {  	v60 =	vand.u32 $0x7E, v29;
	v45 =	vld [tilespmem:s23+$0x19410];
	v18 =	vand.u32 $0x7E, v18;
	v26 =	vadd.bf16 v28, v26  }
0x9b: {  	v13 =	vld.idx.msk [tilespmem:v13+s25+$0x0], $0xffff;
	s14 =	simm.s32 $0x2;
	v43 =	vunpack.i.l.bf16.f32 v25;
	v25 =	vunpack.i.u.bf16.f32 v25;
	v37 =	vor.u32 $0x1, v36  }
0x9c: {  	v18 =	vor.u32 v18, v1;
	v49 =	vadd.s32 s14, v0;
	v38 =	vadd.s32 $0x3, v36;
	v11 =	vld.idx.msk [tilespmem:v11+s6+$0x0], $0xffff  }
0x9d: {  	v61 =	vshll.u32 v34, $0x1;
	v27 =	vadd.bf16 v32, v27;
	v40 =	vadd.s32 $0x2, v36;
	v9 =	vld.idx.msk [tilespmem:v9+s25+$0x0], $0xffff  }
0x9e: {  	[tilespmem:v4+s8+$0x0] =	vst.idx.msk $0xffff, v43;
	v44 =	vunpack.i.u.bf16.f32 v26;
	v26 =	vunpack.i.l.bf16.f32 v26;
	v58 =	vadd.s32 $0x4, v36;
	v10 =	vld.idx.msk [tilespmem:v10+s26+$0x0], $0xffff  }
0x9f: {  	v4 =	vshll.u32 v35, $0x6;
	v33 =	vor.u32 v6, v61;
	v59 =	vadd.s32 $0x5, v36;
	[tilespmem:v12+s8+$0x0] =	vst.idx.msk $0xffff, v26;
	v39 =	vld.idx.msk [tilespmem:v36+s29+$0x0], $0xffff  }
0xa0: {  	v27 =	vadd.bf16 v27, v30;
	v20 =	vadd.bf16 v24, v20;
	v19 =	vmul.bf16 v19, v5;
	v37 =	vld.idx.msk [tilespmem:v37+s29+$0x0], $0xffff  }
0xa1: {  	v12 =	vand.u32 $0x7FFFFBFE, v33;
	v13 =	vadd.bf16 v16, v13;
	[tilespmem:v2+s8+$0x0] =	vst.idx.msk $0xffff, v44;
	v2 =	vand.u32 $0x7FFFFF80, v4;
	v24 =	vld.idx.msk [tilespmem:v38+s29+$0x0], $0xffff  }
0xa2: {  	v30 =	vor.u32 v60, v1;
	vm0 =	veq.s32 v45, $0x2;
	v2 =	vor.u32 $0x1, v2;
	v62 =	vld.idx.msk [tilespmem:v40+s29+$0x0], $0xffff  }
0xa3: {  	v42 =	vunpack.i.l.bf16.f32 v27;
	v20 =	vadd.bf16 v20, v23;
	v13 =	vadd.bf16 v13, v19;
	v6 =	vld.idx.msk [tilespmem:v58+s29+$0x0], $0xffff  }
0xa4: {  	v27 =	vunpack.i.u.bf16.f32 v27;
	v11 =	vmul.bf16 v11, v5;
	v5 =	vld [tilespmem:s23+$0x18B10];
	v9 =	vadd.bf16 v10, v9  }
0xa5: {  	v40 =	vand.u32 $0x7FFFFBFE, v29;
	v48 =	vunpack.i.u.bf16.f32 v13;
	v10 =	vld.idx.msk [tilespmem:v59+s29+$0x0], $0xffff;
	v63 =	vmul.u32 $0xA, v39  }
0xa6: {  	v13 =	vunpack.i.l.bf16.f32 v13;
	v24 =	vmul.u32 $0xA, v24;
	v9 =	vadd.bf16 v9, v11;
	v11 =	vld [tilespmem:s23+$0x19590];
	s23 =	simm.s32 $0x6  }
0xa7: {  	v47 =	vunpack.i.l.bf16.f32 v20;
	[tilespmem:v17+s8+$0x0] =	vst.idx.msk $0xffff, v13;
	v41 =	vadd.s32 v37, v63;
	v17 =	vadd.s32 s23, v0  }
0xa8: {  	v23 =	vmul.u32 $0xA, v41;
	v6 =	vadd.s32 v6, v24;
	v24 =	vunpack.i.u.bf16.f32 v31  }
0xa9: {  	v31 =	vunpack.i.l.bf16.f32 v31;
	v26 =	vunpack.i.l.bf16.f32 v9;
	v6 =	vmul.u32 $0xA, v6  }
0xaa: {  	s24 =	simm.s32 $0x1;
	v9 =	vunpack.i.u.bf16.f32 v9;
	v5 =	vmul.u32 $0x21, v5;
	v23 =	vadd.s32 v62, v23  }
0xab: {  	[tilespmem:v7+s8+$0x0] =	vst.idx.msk $0xffff, v22;
	v23 =	vmul.u32 $0x21, v23;
	v6 =	vadd.s32 v10, v6;
	v10 =	vadd.s32 s24, v0  }
0xac: {  	[tilespmem:v8+s8+$0x0] =	vst.idx.msk $0xffff, v25;
	v17 =	vand.u32 $0x1F, v17;
	v46 =	vmul.u32 $0x21, v6;
	v10 =	vand.u32 $0x1F, v10  }
0xad: {  	[tilespmem:v15+s8+$0x0] =	vst.idx.msk $0xffff, v31;
	v15 =	vunpack.i.u.bf16.f32 v20;
	v6 =	vsel vm0, $0x80E8, v23;
	v16 =	vadd.s32 v5, v10  }
0xae: {  	s13 =	simm.s32 $0x3;
	[tilespmem:v3+s8+$0x0] =	vst.idx.msk $0xffff, v47;
	v23 =	vand.u32 $0x7E, v33;
	v8 =	vshll.u32 v10, $0x1;
	v7 =	vsel vm0, $0x80E8, v46  }
0xaf: {  	[tilespmem:v40+s8+$0x0] =	vst.idx.msk $0xffff, v42;
	v22 =	vadd.s32 v6, v10;
	v23 =	vor.u32 v23, v1;
	v1 =	vadd.s32 s13, v0  }
0xb0: {  	[tilespmem:v30+s8+$0x0] =	vst.idx.msk $0xffff, v27;
	v8 =	vor.u32 v4, v8;
	v19 =	vadd.s32 v7, v10;
	v20 =	vand.u32 $0x1F, v1  }
0xb1: {  	[tilespmem:v21+s8+$0x0] =	vst.idx.msk $0xffff, v24;
	v1 =	vnsel vm0, $0x3F800000, v11;
	v10 =	vand.u32 $0x1F, v49;
	v11 =	vadd.s32 v6, v20  }
0xb2: {  	v27 =	vadd.s32 v7, v20;
	v21 =	vadd.s32 v7, v10;
	v24 =	vadd.s32 v6, v10  }
0xb3: {  	s15 =	simm.s32 $0x5;
	[tilespmem:v12+s8+$0x0] =	vst.idx.msk $0xffff, v26;
	s13 =	simm.s32 $0x0;
	v25 =	vadd.s32 v5, v10;
	v12 =	vshll.u32 v10, $0x1;
	v10 =	vand.u32 $0x7E, v8;
	v16 =	vld.idx.msk [tilespmem:v16+s6+$0x0], $0xffff  }
0xb4: {  	[tilespmem:v14+s8+$0x0] =	vst.idx.msk $0xffff, v48;
	v3 =	vadd.s32 s13, v0;
	v13 =	vor.u32 v10, v2;
	v10 =	vadd.s32 s15, v0;
	v22 =	vld.idx.msk [tilespmem:v22+s25+$0x0], $0xffff  }
0xb5: {  	v1 =	vpack.i.f32.bf16 v1, v1;
	v50 =	vadd.s32 v5, v20;
	v10 =	vand.u32 $0x1F, v10;
	v19 =	vld.idx.msk [tilespmem:v19+s26+$0x0], $0xffff  }
0xb6: {  	v20 =	vshll.u32 v20, $0x1;
	v3 =	vand.u32 $0x1F, v3;
	[tilespmem:v23+s8+$0x0] =	vst.idx.msk $0xffff, v9;
	v23 =	vadd.s32 v5, v10;
	v11 =	vld.idx.msk [tilespmem:v11+s25+$0x0], $0xffff  }
0xb7: {  	s24 =	simm.s32 $0x7;
	v20 =	vor.u32 v4, v20;
	v54 =	vadd.s32 v5, v3;
	v56 =	vadd.s32 v7, v3;
	v27 =	vld.idx.msk [tilespmem:v27+s26+$0x0], $0xffff  }
0xb8: {  	v60 =	vadd.s32 v6, v3;
	v9 =	vadd.s32 s24, v0;
	v14 =	vadd.s32 v6, v10;
	v21 =	vld.idx.msk [tilespmem:v21+s26+$0x0], $0xffff  }
0xb9: {  	v51 =	vand.u32 $0x7E, v20;
	v52 =	vadd.s32 v7, v10;
	v55 =	vand.u32 $0x1F, v9;
	v24 =	vld.idx.msk [tilespmem:v24+s25+$0x0], $0xffff  }
0xba: {  	v26 =	vor.u32 v51, v2;
	v58 =	vadd.s32 v6, v55;
	v19 =	vadd.bf16 v19, v22;
	v22 =	vld.idx.msk [tilespmem:v50+s6+$0x0], $0xffff  }
0xbb: {  	v53 =	vshll.u32 v10, $0x1;
	v10 =	vadd.s32 v7, v17;
	v16 =	vmul.bf16 v16, v1;
	v23 =	vld.idx.msk [tilespmem:v23+s6+$0x0], $0xffff  }
0xbc: {  	v9 =	vadd.s32 v6, v17;
	v25 =	vld.idx.msk [tilespmem:v25+s6+$0x0], $0xffff;
	v57 =	vadd.s32 v5, v55;
	v59 =	vadd.s32 v7, v55  }
0xbd: {  	v62 =	vshll.u32 v55, $0x1;
	v61 =	vld.idx.msk [tilespmem:v14+s25+$0x0], $0xffff;
	v14 =	vor.u32 v4, v53;
	v16 =	vadd.bf16 v19, v16  }
0xbe: {  	v28 =	vld.idx.msk [tilespmem:v52+s26+$0x0], $0xffff;
	v27 =	vadd.bf16 v27, v11;
	v11 =	vadd.s32 v5, v17;
	v21 =	vadd.bf16 v21, v24  }
0xbf: {  	[tilespmem:v18+s8+$0x0] =	vst.idx.msk $0xffff, v15;
	v18 =	vld.idx.msk [tilespmem:v58+s25+$0x0], $0xffff;
	v19 =	vunpack.i.l.bf16.f32 v16;
	v15 =	vunpack.i.u.bf16.f32 v16;
	v22 =	vmul.bf16 v22, v1  }
0xc0: {  	v16 =	vld.idx.msk [tilespmem:v56+s26+$0x0], $0xffff;
	v23 =	vmul.bf16 v23, v1;
	[tilespmem:v8+s8+$0x0] =	vst.idx.msk $0xffff, v19;
	v8 =	vshll.u32 v3, $0x1;
	v3 =	vshll.u32 v17, $0x1  }
0xc1: {  	v17 =	vld.idx.msk [tilespmem:v54+s6+$0x0], $0xffff;
	v22 =	vadd.bf16 v27, v22;
	v27 =	vor.u32 v4, v12;
	v12 =	vmul.bf16 v25, v1  }
0xc2: {  	[tilespmem:v13+s8+$0x0] =	vst.idx.msk $0xffff, v15;
	v13 =	vor.u32 v4, v8;
	v8 =	vor.u32 v4, v62;
	v15 =	vand.u32 $0x7E, v27  }
0xc3: {  	v19 =	vld.idx.msk [tilespmem:v59+s26+$0x0], $0xffff;
	v24 =	vunpack.i.l.bf16.f32 v22;
	v22 =	vunpack.i.u.bf16.f32 v22;
	v25 =	vadd.bf16 v21, v12  }
0xc4: {  	v21 =	vor.u32 v15, v2;
	v15 =	vand.u32 $0x7E, v14;
	v12 =	vand.u32 $0x7E, v8;
	[tilespmem:v20+s8+$0x0] =	vst.idx.msk $0xffff, v24;
	v20 =	vld.idx.msk [tilespmem:v57+s6+$0x0], $0xffff  }
0xc5: {  	v24 =	vadd.bf16 v28, v61;
	v12 =	vor.u32 v12, v2;
	[tilespmem:v26+s8+$0x0] =	vst.idx.msk $0xffff, v22;
	v63 =	vunpack.i.l.bf16.f32 v25  }
0xc6: {  	s23 =	simm.s32 $0x8;
	s13 =	simm.s32 $0x4;
	v15 =	vor.u32 v15, v2;
	v22 =	vld.idx.msk [tilespmem:v60+s25+$0x0], $0xffff;
	v26 =	vand.u32 $0x7E, v13;
	v25 =	vunpack.i.u.bf16.f32 v25;
	[tilespmem:v27+s8+$0x0] =	vst.idx.msk $0xffff, v63  }
.LBB2_6:
0xc7: {  	s0 =	sadd.s32 $0x1, s23  }
0xc8: {  	s15 =	sadd.s32 $0x2, s23;
	v27 =	vadd.s32 s13, v0;
	v23 =	vadd.bf16 v24, v23;
	v24 =	vor.u32 v26, v2;
	s13 =	smov.u32 s23;
	s14 =	sadd.s32 $0x4, s23  }
0xc9: {  	p1 =	slt.u32 s23, $0x1C;
	v17 =	vmul.bf16 v17, v1;
	v26 =	vadd.s32 s0, v0;
	v28 =	vadd.s32 s15, v0;
	[tilespmem:v21+s8+$0x0] =	vst.idx.msk $0xffff, v25  }
0xca: {  	s0 =	sadd.s32 $0x3, s13;
	v21 =	vand.u32 $0x1F, v27;
	v18 =	vadd.bf16 v19, v18;
	v25 =	vunpack.i.l.bf16.f32 v23  }
0xcb: {  	v19 =	vand.u32 $0x1F, v26;
	v26 =	vadd.s32 s0, v0;
	v20 =	vmul.bf16 v20, v1;
	[tilespmem:v14+s8+$0x0] =	vst.idx.msk $0xffff, v25  }
0xcc: {  	v27 =	vand.u32 $0x1F, v28;
	v14 =	vadd.s32 v5, v19;
	v25 =	vshll.u32 v19, $0x1  }
0xcd: {  	v28 =	vadd.s32 v6, v19;
	v19 =	vadd.s32 v7, v19;
	v16 =	vadd.bf16 v16, v22;
	v29 =	vld.idx.msk [tilespmem:v10+s26+$0x0], $0xffff  }
0xce: {  	v22 =	vand.u32 $0x1F, v26;
	v26 =	vadd.s32 v5, v21;
	v10 =	vadd.s32 v7, v27;
	v30 =	vld.idx.msk [tilespmem:v9+s25+$0x0], $0xffff  }
0xcf: {  	v31 =	vadd.s32 v5, v22;
	v16 =	vadd.bf16 v16, v17;
	v9 =	vadd.s32 v6, v27;
	v32 =	vld.idx.msk [tilespmem:v11+s6+$0x0], $0xffff  }
0xd0: {  	v34 =	vadd.s32 v7, v21;
	v33 =	vadd.s32 v6, v22;
	v11 =	vadd.s32 v5, v27  }
0xd1: {  	v37 =	vadd.s32 v6, v21;
	v36 =	vadd.s32 v7, v22;
	v17 =	vunpack.i.l.bf16.f32 v16;
	v35 =	vld.idx.msk [tilespmem:v14+s6+$0x0], $0xffff  }
0xd2: {  	v23 =	vunpack.i.u.bf16.f32 v23;
	v16 =	vunpack.i.u.bf16.f32 v16;
	v14 =	vor.u32 v4, v25;
	v28 =	vld.idx.msk [tilespmem:v28+s25+$0x0], $0xffff;
	[tilespmem:v13+s8+$0x0] =	vst.idx.msk $0xffff, v17  }
0xd3: {  	v22 =	vshll.u32 v22, $0x1;
	v13 =	vshll.u32 v21, $0x1;
	v25 =	vld.idx.msk [tilespmem:v19+s26+$0x0], $0xffff;
	v19 =	vadd.bf16 v18, v20;
	[tilespmem:v24+s8+$0x0] =	vst.idx.msk $0xffff, v16  }
0xd4: {  	v38 =	vor.u32 v4, v3;
	v3 =	vshll.u32 v27, $0x1;
	v17 =	vld.idx.msk [tilespmem:v26+s6+$0x0], $0xffff;
	[tilespmem:v15+s8+$0x0] =	vst.idx.msk $0xffff, v23  }
0xd5: {  	v20 =	vadd.bf16 v29, v30;
	v15 =	vmul.bf16 v32, v1;
	v16 =	vld.idx.msk [tilespmem:v34+s26+$0x0], $0xffff;
	v21 =	vunpack.i.l.bf16.f32 v19  }
.Ltmp3:
0xd6: {  	v13 =	vor.u32 v4, v13;
	v23 =	vand.u32 $0x7E, v38;
	v24 =	vunpack.i.u.bf16.f32 v19;
	v18 =	vld.idx.msk [tilespmem:v33+s25+$0x0], $0xffff;
	[tilespmem:v8+s8+$0x0] =	vst.idx.msk $0xffff, v21;
	(pc) =	sbr.rel @p1 .LBB2_6-.Ltmp3, $4  }
0xd7: {  	v8 =	vor.u32 v4, v22;
	v27 =	vadd.bf16 v20, v15;
	v21 =	vor.u32 v23, v2;
	v19 =	vld.idx.msk [tilespmem:v36+s26+$0x0], $0xffff  }
0xd8: {  	v23 =	vmul.bf16 v35, v1;
	v15 =	vand.u32 $0x7E, v14;
	v22 =	vand.u32 $0x7E, v8;
	v20 =	vld.idx.msk [tilespmem:v31+s6+$0x0], $0xffff;
	[tilespmem:v12+s8+$0x0] =	vst.idx.msk $0xffff, v24  }
0xd9: {  	v24 =	vadd.bf16 v25, v28;
	v12 =	vor.u32 v22, v2;
	v28 =	vunpack.i.l.bf16.f32 v27;
	v22 =	vld.idx.msk [tilespmem:v37+s25+$0x0], $0xffff  }
0xda: {  	s23 =	smov.u32 s14;
	v26 =	vand.u32 $0x7E, v13;
	v15 =	vor.u32 v15, v2;
	v25 =	vunpack.i.u.bf16.f32 v27;
	[tilespmem:v38+s8+$0x0] =	vst.idx.msk $0xffff, v28  }
0xdb: {  	v27 =	vadd.s32 s13, v0  }
0xdc: {  	v27 =	vand.u32 $0x1F, v27  }
0xdd: {  	v5 =	vadd.s32 v5, v27  }
0xde: {  	v7 =	vadd.s32 v7, v27  }
0xdf: {  	v10 =	vld.idx.msk [tilespmem:v10+s26+$0x0], $0xffff;
	v6 =	vadd.s32 v6, v27  }
0xe0: {  	v9 =	vld.idx.msk [tilespmem:v9+s25+$0x0], $0xffff  }
0xe1: {  	v11 =	vld.idx.msk [tilespmem:v11+s6+$0x0], $0xffff  }
0xe2: {  	v17 =	vmul.bf16 v17, v1;
	v47 =	vadd.bf16 v24, v23;
	v48 =	vor.u32 v26, v2;
	v5 =	vld.idx.msk [tilespmem:v5+s6+$0x0], $0xffff  }
0xe3: {  	v3 =	vor.u32 v4, v3;
	v18 =	vadd.bf16 v19, v18;
	v50 =	vmul.bf16 v20, v1;
	v7 =	vld.idx.msk [tilespmem:v7+s26+$0x0], $0xffff  }
0xe4: {  	[tilespmem:v21+s8+$0x0] =	vst.idx.msk $0xffff, v25;
	v56 =	vand.u32 $0x7E, v3;
	v49 =	vunpack.i.l.bf16.f32 v47;
	v16 =	vadd.bf16 v16, v22;
	v6 =	vld.idx.msk [tilespmem:v6+s25+$0x0], $0xffff  }
0xe5: {  	v52 =	vunpack.i.u.bf16.f32 v47;
	v54 =	vshll.u32 v27, $0x1;
	[tilespmem:v14+s8+$0x0] =	vst.idx.msk $0xffff, v49;
	v53 =	vadd.bf16 v18, v50  }
0xe6: {  	v16 =	vadd.bf16 v16, v17;
	v11 =	vmul.bf16 v11, v1;
	v9 =	vadd.bf16 v10, v9  }
0xe7: {  	v58 =	vor.u32 v56, v2;
	v57 =	vor.u32 v4, v54;
	[tilespmem:v15+s8+$0x0] =	vst.idx.msk $0xffff, v52;
	v55 =	vunpack.i.l.bf16.f32 v53  }
0xe8: {  	v59 =	vand.u32 $0x7E, v57;
	v51 =	vunpack.i.l.bf16.f32 v16;
	v9 =	vadd.bf16 v9, v11;
	[tilespmem:v8+s8+$0x0] =	vst.idx.msk $0xffff, v55  }
0xe9: {  	v61 =	vunpack.i.u.bf16.f32 v53;
	[tilespmem:v13+s8+$0x0] =	vst.idx.msk $0xffff, v51;
	v1 =	vmul.bf16 v5, v1;
	v60 =	vadd.bf16 v7, v6  }
0xea: {  	p1 =	slt.u32 s20, $0x8;
	v2 =	vor.u32 v59, v2;
	v16 =	vunpack.i.u.bf16.f32 v16;
	[tilespmem:v12+s8+$0x0] =	vst.idx.msk $0xffff, v61  }
.Ltmp4:
0xeb: {  	[tilespmem:v48+s8+$0x0] =	vst.idx.msk $0xffff, v16;
	v62 =	vunpack.i.l.bf16.f32 v9;
	v1 =	vadd.bf16 v60, v1;
	(pc) =	sbr.rel @p1 .LBB2_3-.Ltmp4, $4  }
0xec: {  	v63 =	vunpack.i.u.bf16.f32 v9;
	[tilespmem:v3+s8+$0x0] =	vst.idx.msk $0xffff, v62  }
0xed: {  	[tilespmem:v58+s8+$0x0] =	vst.idx.msk $0xffff, v63;
	v3 =	vunpack.i.l.bf16.f32 v1  }
0xee: {  	s0 =	sadd.s32 $0x2, s20;
	v1 =	vunpack.i.u.bf16.f32 v1;
	[tilespmem:v57+s8+$0x0] =	vst.idx.msk $0xffff, v3  }
0xef: {  	s20 =	smov.u32 s0;
	[tilespmem:v2+s8+$0x0] =	vst.idx.msk $0xffff, v1  }
0xf0: {  	s0 =	sshll.u32 s18, $0x3  }
0xf1: {  	p1 =	seq.s32 s16, $0x4F;
	s0 =	sadd.s32 s5, s0  }
0xf2: {  	[hbm4b:s0+s6] =	stream.linear.scatter [tilespmem:s8], [sflag:$0x3], $0x2800, $0x38;
	[tilespmem:$0x1E700] =	vst v63  }
0xf3: {  	s0 =	sadd.s32 @!p1 s17, s21  }
0xf4: {  	s13 =	smul.u32 @!p1 $0x6, s0;
	s0 =	sshrl.u32 @!p1 s0, $0x3  }
0xf5: {  	s15 =	simm.s32 @!p1 $0x0;
	s18 =	simm.s32 @!p1 $0x18B00;
	s14 =	sadd.s32 @!p1 s1, s0  }
0xf6: {  	[tilespmem:s18], [sflag:$0x1] =	stream.linear.gather @!p1 [hbm4b:s14+s15], $0xA0, $0x38;
	[tilespmem:$0x1E700] =	vst v63  }
0xf7: {  	s13 =	sshrl.u32 @!p1 s13, $0x3  }
0xf8: {  	s14 =	simm.s32 @!p1 $0x18C80;
	s13 =	sadd.s32 @!p1 s7, s13  }
0xf9: {  	[tilespmem:s14], [sflag:$0x1] =	stream.linear.gather @!p1 [hbm4b:s13+s15], $0x3C0, $0x38;
	[tilespmem:$0x1E700] =	vst v63  }
0xfa: {  	s13 =	sadd.s32 @!p1 s2, s0;
	s14 =	simm.s32 @!p1 $0x19400  }
0xfb: {  	[tilespmem:s14], [sflag:$0x1] =	stream.linear.gather @!p1 [hbm4b:s13+s15], $0xA0, $0x38;
	[tilespmem:$0x1E700] =	vst v63  }
0xfc: {  	s0 =	sadd.s32 @!p1 s3, s0;
	s13 =	simm.s32 @!p1 $0x19580  }
0xfd: {  	[tilespmem:s13], [sflag:$0x1] =	stream.linear.gather @!p1 [hbm4b:s0+s15], $0xA0, $0x38;
	[tilespmem:$0x1E700] =	vst v63  }
0xfe: {  	_ =	swait.ge [sflag:s10], $0xA0  }
0xff: {  	[sflag:s10] =	ssyncset.done $0x0  }
0x100: {  	[sflag:s10] =	ssyncadd.s32 $0xFFFFFF60  }
0x101: {  	_ =	swait.ge [sflag:s10], $0x3C0  }
0x102: {  	[sflag:s10] =	ssyncset.done $0x0  }
0x103: {  	[sflag:s10] =	ssyncadd.s32 $0xFFFFFC40  }
0x104: {  	_ =	swait.ge [sflag:s10], $0xA0  }
0x105: {  	[sflag:s10] =	ssyncset.done $0x0  }
0x106: {  	[sflag:s10] =	ssyncadd.s32 $0xFFFFFF60  }
0x107: {  	_ =	swait.ge [sflag:s10], $0xA0  }
0x108: {  	[sflag:s10] =	ssyncset.done $0x0  }
0x109: {  	s0 =	simm.s32 @!p0 $0x4;
	[sflag:s10] =	ssyncadd.s32 $0xFFFFFF60  }
0x10a: {  	_ =	swait.ge @!p0 [sflag:s0], $0x2800  }
0x10b: {  	s19 =	simm.s32 $0x0;
	[sflag:s0] =	ssyncset.done @!p0 $0x0  }
0x10c: {  	s20 =	simm.s32 $0x0;
	s18 =	sadd.s32 s17, s12;
	[sflag:s0] =	ssyncadd.s32 @!p0 $0xFFFFD800  }
.LBB2_9:
0x10d: {  	s23 =	sshll.u32 s20, $0x4  }
0x10e: {  	v1 =	vor.u32 s23, v0  }
0x10f: {  	v2 =	vmul.u32 $0x6, v1;
	_ =	sdelay $0x1  }
0x110: {  	v3 =	vadd.s32 $0x3, v2  }
0x111: {  	v4 =	vor.u32 $0x1, v2  }
0x112: {  	v5 =	vadd.s32 $0x4, v2;
	_ =	sdelay $0x1  }
0x113: {  	v7 =	vadd.s32 $0x2, v2;
	v6 =	vld.idx.msk [tilespmem:v2+s4+$0x0], $0xffff  }
0x114: {  	v2 =	vadd.s32 $0x5, v2;
	v3 =	vld.idx.msk [tilespmem:v3+s4+$0x0], $0xffff  }
0x115: {  	v4 =	vld.idx.msk [tilespmem:v4+s4+$0x0], $0xffff  }
0x116: {  	v5 =	vld.idx.msk [tilespmem:v5+s4+$0x0], $0xffff;
	_ =	sdelay $0x1  }
0x117: {  	v7 =	vld.idx.msk [tilespmem:v7+s4+$0x0], $0xffff;
	v6 =	vmul.u32 $0xA, v6  }
0x118: {  	v2 =	vld.idx.msk [tilespmem:v2+s4+$0x0], $0xffff;
	v3 =	vmul.u32 $0xA, v3  }
0x119: {  	v8 =	vld [tilespmem:s23+$0x194A0];
	v4 =	vadd.s32 v4, v6  }
0x11a: {  	v4 =	vmul.u32 $0xA, v4;
	v3 =	vadd.s32 v5, v3  }
0x11b: {  	v3 =	vmul.u32 $0xA, v3  }
0x11c: {  	v6 =	vld [tilespmem:s23+$0x18BA0];
	v4 =	vadd.s32 v7, v4  }
0x11d: {  	s0 =	simm.s32 $0x1;
	v4 =	vmul.u32 $0x21, v4;
	v2 =	vadd.s32 v2, v3  }
0x11e: {  	vm0 =	veq.s32 v8, $0x2;
	v3 =	vadd.s32 s0, v0;
	v2 =	vmul.u32 $0x21, v2  }
0x11f: {  	s14 =	simm.s32 $0x3;
	v5 =	vld [tilespmem:s23+$0x19620];
	v3 =	vand.u32 $0x1F, v3;
	v9 =	vsel vm0, $0x80E8, v4  }
0x120: {  	s24 =	simm.s32 $0x6;
	v13 =	vadd.s32 s14, v0;
	v10 =	vsel vm0, $0x80E8, v2;
	v4 =	vadd.s32 v9, v3  }
0x121: {  	v20 =	vadd.s32 s24, v0;
	v11 =	vmul.u32 $0x21, v6;
	v7 =	vadd.s32 v10, v3  }
0x122: {  	s13 =	simm.s32 $0x2;
	v13 =	vand.u32 $0x1F, v13;
	v26 =	vand.u32 $0x1F, v20  }
0x123: {  	v6 =	vshll.u32 v1, $0x6;
	v2 =	vadd.s32 s13, v0;
	v12 =	vadd.s32 v11, v3  }
0x124: {  	v1 =	vnsel vm0, $0x3F800000, v5;
	v18 =	vadd.s32 v9, v13;
	v2 =	vand.u32 $0x1F, v2  }
0x125: {  	v5 =	vpack.i.f32.bf16 v1, v1;
	v1 =	vand.u32 $0x3B80, v6;
	v8 =	vadd.s32 v11, v2;
	v14 =	vld.idx.msk [tilespmem:v4+s25+$0x0], $0xffff  }
0x126: {  	v15 =	vadd.s32 v11, v13;
	v30 =	vadd.s32 v11, v26;
	v16 =	vadd.s32 v10, v13;
	v7 =	vld.idx.msk [tilespmem:v7+s26+$0x0], $0xffff  }
0x127: {  	s13 =	simm.s32 $0x7;
	v1 =	vor.u32 $0x1, v1;
	v3 =	vshll.u32 v3, $0x1;
	v17 =	vadd.s32 v9, v2  }
0x128: {  	v20 =	vadd.s32 s13, v0;
	v21 =	vadd.s32 v10, v2;
	v2 =	vshll.u32 v2, $0x1;
	v19 =	vld.idx.msk [tilespmem:v12+s6+$0x0], $0xffff  }
0x129: {  	v3 =	vor.u32 v6, v3;
	v29 =	vand.u32 $0x1F, v20;
	v4 =	vshll.u32 v13, $0x1;
	v39 =	vld.idx.msk [tilespmem:v18+s25+$0x0], $0xffff  }
0x12a: {  	v20 =	vadd.s32 v9, v26;
	v23 =	vor.u32 v6, v2;
	v2 =	vor.u32 v6, v4;
	v8 =	vld.idx.msk [tilespmem:v8+s6+$0x0], $0xffff  }
0x12b: {  	s15 =	simm.s32 $0x5;
	v4 =	vand.u32 $0x7FFFFBFE, v23;
	v28 =	vld.idx.msk [tilespmem:v16+s26+$0x0], $0xffff;
	v16 =	vadd.s32 v10, v29;
	v13 =	vadd.bf16 v7, v14  }
0x12c: {  	v17 =	vld.idx.msk [tilespmem:v17+s25+$0x0], $0xffff;
	v7 =	vand.u32 $0x7E, v3;
	v14 =	vand.u32 $0x7FFFFBFE, v3;
	v3 =	vadd.s32 s15, v0  }
0x12d: {  	v12 =	vand.u32 $0x7FFFFBFE, v2;
	v2 =	vand.u32 $0x7E, v2;
	v21 =	vld.idx.msk [tilespmem:v21+s26+$0x0], $0xffff;
	v3 =	vand.u32 $0x1F, v3  }
0x12e: {  	v23 =	vand.u32 $0x7E, v23;
	v2 =	vor.u32 v2, v1;
	v22 =	vadd.s32 v9, v3  }
0x12f: {  	v19 =	vmul.bf16 v19, v5;
	v25 =	vmul.bf16 v8, v5;
	v24 =	vadd.s32 v10, v3  }
0x130: {  	v32 =	vld.idx.msk [tilespmem:v15+s6+$0x0], $0xffff;
	v8 =	vadd.s32 s19, v0;
	v15 =	vshll.u32 v3, $0x1;
	v3 =	vadd.s32 v11, v3  }
0x131: {  	v28 =	vadd.bf16 v28, v39;
	v7 =	vor.u32 v7, v1;
	v8 =	vand.u32 $0x1F, v8  }
0x132: {  	v40 =	vadd.bf16 v21, v17;
	v27 =	vadd.bf16 v13, v19;
	v35 =	vadd.s32 v11, v8  }
0x133: {  	v19 =	vadd.s32 v11, v29;
	v13 =	vadd.s32 v9, v29;
	v33 =	vadd.s32 v9, v8;
	v31 =	vld.idx.msk [tilespmem:v22+s25+$0x0], $0xffff  }
0x134: {  	v34 =	vadd.s32 v10, v8;
	v36 =	vshll.u32 v8, $0x1;
	v15 =	vor.u32 v6, v15;
	v8 =	vld.idx.msk [tilespmem:v24+s26+$0x0], $0xffff  }
0x135: {  	v25 =	vadd.bf16 v40, v25;
	v24 =	vadd.s32 v10, v26;
	v22 =	vunpack.i.u.bf16.f32 v27;
	v38 =	vld.idx.msk [tilespmem:v3+s6+$0x0], $0xffff  }
0x136: {  	v37 =	vld.idx.msk [tilespmem:v30+s6+$0x0], $0xffff;
	v27 =	vunpack.i.l.bf16.f32 v27;
	v3 =	vshll.u32 v26, $0x1;
	v26 =	vshll.u32 v29, $0x1  }
0x137: {  	v29 =	vor.u32 v6, v36;
	v18 =	vor.u32 v6, v3;
	v26 =	vor.u32 v6, v26;
	v30 =	vld.idx.msk [tilespmem:v35+s6+$0x0], $0xffff  }
0x138: {  	[tilespmem:v14+s11+$0x0] =	vst.idx.msk $0xffff, v27;
	v3 =	vand.u32 $0x7FFFFBFE, v18;
	v17 =	vand.u32 $0x7FFFFBFE, v26;
	v21 =	vand.u32 $0x7E, v26  }
0x139: {  	v26 =	vmul.bf16 v32, v5;
	v14 =	vor.u32 v21, v1;
	v31 =	vadd.bf16 v8, v31  }
0x13a: {  	v27 =	vld.idx.msk [tilespmem:v33+s25+$0x0], $0xffff;
	v8 =	vand.u32 $0x7E, v15;
	v15 =	vand.u32 $0x7FFFFBFE, v15;
	v33 =	vmul.bf16 v38, v5  }
0x13b: {  	s14 =	simm.s32 $0x4;
	s13 =	simm.s32 $0x8;
	v32 =	vld.idx.msk [tilespmem:v34+s26+$0x0], $0xffff;
	v21 =	vor.u32 v8, v1;
	v8 =	vor.u32 v23, v1;
	v23 =	vmul.bf16 v37, v5  }
.LBB2_10:
0x13c: {  	s0 =	sadd.s32 $0x1, s13;
	s15 =	sadd.s32 $0x2, s13;
	s24 =	sadd.s32 $0x3, s13;
	v34 =	vadd.s32 s14, v0;
	v31 =	vadd.bf16 v31, v33;
	v30 =	vmul.bf16 v30, v5;
	[tilespmem:v7+s11+$0x0] =	vst.idx.msk $0xffff, v22  }
0x13d: {  	p0 =	slt.u32 s13, $0x1C;
	v33 =	vand.u32 $0x7FFFFBFE, v29;
	v35 =	vmovc v17;
	v36 =	vmovc v2;
	s14 =	smov.u32 s13;
	s13 =	sadd.s32 $0x4, s13;
	v38 =	vadd.s32 s0, v0;
	v22 =	vadd.s32 s15, v0  }
0x13e: {  	v2 =	vmovc v14;
	v7 =	vmovc v21;
	v17 =	vand.u32 $0x1F, v38;
	v37 =	vand.u32 $0x1F, v22;
	v22 =	vand.u32 $0x7E, v29  }
0x13f: {  	v29 =	vadd.s32 s24, v0;
	v14 =	vadd.s32 v9, v17;
	v21 =	vshll.u32 v17, $0x1  }
0x140: {  	v38 =	vadd.s32 v11, v17;
	v29 =	vand.u32 $0x1F, v29;
	v27 =	vadd.bf16 v32, v27  }
0x141: {  	v17 =	vadd.s32 v10, v17;
	v32 =	vadd.s32 v11, v37;
	v40 =	vor.u32 v22, v1;
	v39 =	vld.idx.msk [tilespmem:v16+s26+$0x0], $0xffff  }
0x142: {  	v16 =	vadd.s32 v10, v29;
	v27 =	vadd.bf16 v27, v30;
	v41 =	vld.idx.msk [tilespmem:v19+s6+$0x0], $0xffff;
	v19 =	vadd.s32 v11, v29  }
0x143: {  	v22 =	vand.u32 $0x1F, v34;
	v30 =	vadd.s32 v9, v29;
	v34 =	vld.idx.msk [tilespmem:v20+s25+$0x0], $0xffff;
	v20 =	vadd.s32 v9, v37  }
0x144: {  	v42 =	vadd.s32 v9, v22;
	v43 =	vadd.s32 v10, v22;
	v44 =	vld.idx.msk [tilespmem:v24+s26+$0x0], $0xffff;
	v24 =	vadd.bf16 v28, v26  }
0x145: {  	v26 =	vadd.s32 v11, v22;
	v28 =	vshll.u32 v22, $0x1;
	v22 =	vunpack.i.l.bf16.f32 v27;
	v14 =	vld.idx.msk [tilespmem:v14+s25+$0x0], $0xffff  }
0x146: {  	v45 =	vld.idx.msk [tilespmem:v17+s26+$0x0], $0xffff;
	[tilespmem:v33+s11+$0x0] =	vst.idx.msk $0xffff, v22;
	v17 =	vunpack.i.l.bf16.f32 v25;
	v33 =	vunpack.i.u.bf16.f32 v24;
	v46 =	vunpack.i.l.bf16.f32 v24  }
0x147: {  	v24 =	vadd.s32 v10, v37;
	v22 =	vunpack.i.u.bf16.f32 v31;
	v25 =	vunpack.i.u.bf16.f32 v25;
	v47 =	vld.idx.msk [tilespmem:v32+s6+$0x0], $0xffff;
	[tilespmem:v12+s11+$0x0] =	vst.idx.msk $0xffff, v46  }
0x148: {  	v21 =	vor.u32 v6, v21;
	v31 =	vunpack.i.l.bf16.f32 v31;
	v32 =	vunpack.i.u.bf16.f32 v27;
	v12 =	vld.idx.msk [tilespmem:v38+s6+$0x0], $0xffff;
	[tilespmem:v4+s11+$0x0] =	vst.idx.msk $0xffff, v17  }
0x149: {  	v38 =	vshll.u32 v37, $0x1;
	v17 =	vshll.u32 v29, $0x1;
	v29 =	vand.u32 $0x7E, v18;
	[tilespmem:v15+s11+$0x0] =	vst.idx.msk $0xffff, v31;
	v37 =	vld.idx.msk [tilespmem:v13+s25+$0x0], $0xffff;
	v13 =	vmovc v30  }
0x14a: {  	v18 =	vor.u32 v6, v38;
	v31 =	vor.u32 v6, v17;
	v34 =	vadd.bf16 v44, v34;
	v30 =	vld.idx.msk [tilespmem:v26+s6+$0x0], $0xffff  }
.Ltmp5:
0x14b: {  	v4 =	vmovc v3;
	v17 =	vand.u32 $0x7FFFFBFE, v31;
	v15 =	vand.u32 $0x7E, v31;
	v3 =	vand.u32 $0x7FFFFBFE, v18;
	v27 =	vld.idx.msk [tilespmem:v42+s25+$0x0], $0xffff;
	[tilespmem:v40+s11+$0x0] =	vst.idx.msk $0xffff, v32;
	(pc) =	sbr.rel @p0 .LBB2_10-.Ltmp5, $4  }
0x14c: {  	v26 =	vand.u32 $0x7E, v21;
	v31 =	vadd.bf16 v45, v14;
	v14 =	vor.u32 v15, v1;
	[tilespmem:v36+s11+$0x0] =	vst.idx.msk $0xffff, v33  }
0x14d: {  	v15 =	vand.u32 $0x7FFFFBFE, v21;
	v21 =	vor.u32 v26, v1;
	[tilespmem:v8+s11+$0x0] =	vst.idx.msk $0xffff, v25;
	v8 =	vor.u32 v29, v1  }
0x14e: {  	v26 =	vmul.bf16 v41, v5;
	v33 =	vmul.bf16 v12, v5;
	v29 =	vor.u32 v6, v28;
	v32 =	vld.idx.msk [tilespmem:v43+s26+$0x0], $0xffff  }
0x14f: {  	v25 =	vadd.bf16 v34, v23;
	v23 =	vmul.bf16 v47, v5;
	v12 =	vmovc v35;
	v28 =	vadd.bf16 v39, v37  }
0x150: {  	_ =	sdelay $0x2  }
0x151: {  	v34 =	vadd.s32 s14, v0  }
0x152: {  	v19 =	vld.idx.msk [tilespmem:v19+s6+$0x0], $0xffff;
	v34 =	vand.u32 $0x1F, v34  }
0x153: {  	s0 =	sor.u32 $0x10, s23;
	v20 =	vld.idx.msk [tilespmem:v20+s25+$0x0], $0xffff;
	v11 =	vadd.s32 v11, v34  }
0x154: {  	v24 =	vld.idx.msk [tilespmem:v24+s26+$0x0], $0xffff;
	v30 =	vmul.bf16 v30, v5;
	v35 =	vor.u32 s0, v0;
	v9 =	vadd.s32 v9, v34  }
0x155: {  	v31 =	vadd.bf16 v31, v33;
	v16 =	vld.idx.msk [tilespmem:v16+s26+$0x0], $0xffff;
	v36 =	vmul.u32 $0x6, v35;
	v10 =	vadd.s32 v10, v34  }
0x156: {  	v60 =	vand.u32 $0x7E, v29;
	v45 =	vld [tilespmem:s23+$0x194B0];
	v18 =	vand.u32 $0x7E, v18;
	v26 =	vadd.bf16 v28, v26  }
0x157: {  	v13 =	vld.idx.msk [tilespmem:v13+s25+$0x0], $0xffff;
	s14 =	simm.s32 $0x2;
	v43 =	vunpack.i.l.bf16.f32 v25;
	v25 =	vunpack.i.u.bf16.f32 v25;
	v37 =	vor.u32 $0x1, v36  }
0x158: {  	v18 =	vor.u32 v18, v1;
	v49 =	vadd.s32 s14, v0;
	v38 =	vadd.s32 $0x3, v36;
	v11 =	vld.idx.msk [tilespmem:v11+s6+$0x0], $0xffff  }
0x159: {  	v61 =	vshll.u32 v34, $0x1;
	v27 =	vadd.bf16 v32, v27;
	v40 =	vadd.s32 $0x2, v36;
	v9 =	vld.idx.msk [tilespmem:v9+s25+$0x0], $0xffff  }
0x15a: {  	[tilespmem:v4+s11+$0x0] =	vst.idx.msk $0xffff, v43;
	v44 =	vunpack.i.u.bf16.f32 v26;
	v26 =	vunpack.i.l.bf16.f32 v26;
	v58 =	vadd.s32 $0x4, v36;
	v10 =	vld.idx.msk [tilespmem:v10+s26+$0x0], $0xffff  }
0x15b: {  	v4 =	vshll.u32 v35, $0x6;
	v33 =	vor.u32 v6, v61;
	v59 =	vadd.s32 $0x5, v36;
	[tilespmem:v12+s11+$0x0] =	vst.idx.msk $0xffff, v26;
	v39 =	vld.idx.msk [tilespmem:v36+s4+$0x0], $0xffff  }
0x15c: {  	v27 =	vadd.bf16 v27, v30;
	v20 =	vadd.bf16 v24, v20;
	v19 =	vmul.bf16 v19, v5;
	v37 =	vld.idx.msk [tilespmem:v37+s4+$0x0], $0xffff  }
0x15d: {  	v12 =	vand.u32 $0x7FFFFBFE, v33;
	v13 =	vadd.bf16 v16, v13;
	[tilespmem:v2+s11+$0x0] =	vst.idx.msk $0xffff, v44;
	v2 =	vand.u32 $0x7FFFFF80, v4;
	v24 =	vld.idx.msk [tilespmem:v38+s4+$0x0], $0xffff  }
0x15e: {  	v30 =	vor.u32 v60, v1;
	vm0 =	veq.s32 v45, $0x2;
	v2 =	vor.u32 $0x1, v2;
	v62 =	vld.idx.msk [tilespmem:v40+s4+$0x0], $0xffff  }
0x15f: {  	v42 =	vunpack.i.l.bf16.f32 v27;
	v20 =	vadd.bf16 v20, v23;
	v13 =	vadd.bf16 v13, v19;
	v6 =	vld.idx.msk [tilespmem:v58+s4+$0x0], $0xffff  }
0x160: {  	v27 =	vunpack.i.u.bf16.f32 v27;
	v11 =	vmul.bf16 v11, v5;
	v5 =	vld [tilespmem:s23+$0x18BB0];
	v9 =	vadd.bf16 v10, v9  }
0x161: {  	v40 =	vand.u32 $0x7FFFFBFE, v29;
	v48 =	vunpack.i.u.bf16.f32 v13;
	v10 =	vld.idx.msk [tilespmem:v59+s4+$0x0], $0xffff;
	v63 =	vmul.u32 $0xA, v39  }
0x162: {  	v13 =	vunpack.i.l.bf16.f32 v13;
	v24 =	vmul.u32 $0xA, v24;
	v9 =	vadd.bf16 v9, v11;
	v11 =	vld [tilespmem:s23+$0x19630];
	s23 =	simm.s32 $0x6  }
0x163: {  	v47 =	vunpack.i.l.bf16.f32 v20;
	[tilespmem:v17+s11+$0x0] =	vst.idx.msk $0xffff, v13;
	v41 =	vadd.s32 v37, v63;
	v17 =	vadd.s32 s23, v0  }
0x164: {  	v23 =	vmul.u32 $0xA, v41;
	v6 =	vadd.s32 v6, v24;
	v24 =	vunpack.i.u.bf16.f32 v31  }
0x165: {  	v31 =	vunpack.i.l.bf16.f32 v31;
	v26 =	vunpack.i.l.bf16.f32 v9;
	v6 =	vmul.u32 $0xA, v6  }
0x166: {  	s24 =	simm.s32 $0x1;
	v9 =	vunpack.i.u.bf16.f32 v9;
	v5 =	vmul.u32 $0x21, v5;
	v23 =	vadd.s32 v62, v23  }
0x167: {  	[tilespmem:v7+s11+$0x0] =	vst.idx.msk $0xffff, v22;
	v23 =	vmul.u32 $0x21, v23;
	v6 =	vadd.s32 v10, v6;
	v10 =	vadd.s32 s24, v0  }
0x168: {  	[tilespmem:v8+s11+$0x0] =	vst.idx.msk $0xffff, v25;
	v17 =	vand.u32 $0x1F, v17;
	v46 =	vmul.u32 $0x21, v6;
	v10 =	vand.u32 $0x1F, v10  }
0x169: {  	[tilespmem:v15+s11+$0x0] =	vst.idx.msk $0xffff, v31;
	v15 =	vunpack.i.u.bf16.f32 v20;
	v6 =	vsel vm0, $0x80E8, v23;
	v16 =	vadd.s32 v5, v10  }
0x16a: {  	s13 =	simm.s32 $0x3;
	[tilespmem:v3+s11+$0x0] =	vst.idx.msk $0xffff, v47;
	v23 =	vand.u32 $0x7E, v33;
	v8 =	vshll.u32 v10, $0x1;
	v7 =	vsel vm0, $0x80E8, v46  }
0x16b: {  	[tilespmem:v40+s11+$0x0] =	vst.idx.msk $0xffff, v42;
	v22 =	vadd.s32 v6, v10;
	v23 =	vor.u32 v23, v1;
	v1 =	vadd.s32 s13, v0  }
0x16c: {  	[tilespmem:v30+s11+$0x0] =	vst.idx.msk $0xffff, v27;
	v8 =	vor.u32 v4, v8;
	v19 =	vadd.s32 v7, v10;
	v20 =	vand.u32 $0x1F, v1  }
0x16d: {  	[tilespmem:v21+s11+$0x0] =	vst.idx.msk $0xffff, v24;
	v1 =	vnsel vm0, $0x3F800000, v11;
	v10 =	vand.u32 $0x1F, v49;
	v11 =	vadd.s32 v6, v20  }
0x16e: {  	v27 =	vadd.s32 v7, v20;
	v21 =	vadd.s32 v7, v10;
	v24 =	vadd.s32 v6, v10  }
0x16f: {  	s15 =	simm.s32 $0x5;
	[tilespmem:v12+s11+$0x0] =	vst.idx.msk $0xffff, v26;
	s13 =	simm.s32 $0x0;
	v25 =	vadd.s32 v5, v10;
	v12 =	vshll.u32 v10, $0x1;
	v10 =	vand.u32 $0x7E, v8;
	v16 =	vld.idx.msk [tilespmem:v16+s6+$0x0], $0xffff  }
0x170: {  	[tilespmem:v14+s11+$0x0] =	vst.idx.msk $0xffff, v48;
	v3 =	vadd.s32 s13, v0;
	v13 =	vor.u32 v10, v2;
	v10 =	vadd.s32 s15, v0;
	v22 =	vld.idx.msk [tilespmem:v22+s25+$0x0], $0xffff  }
0x171: {  	v1 =	vpack.i.f32.bf16 v1, v1;
	v50 =	vadd.s32 v5, v20;
	v10 =	vand.u32 $0x1F, v10;
	v19 =	vld.idx.msk [tilespmem:v19+s26+$0x0], $0xffff  }
0x172: {  	v20 =	vshll.u32 v20, $0x1;
	v3 =	vand.u32 $0x1F, v3;
	[tilespmem:v23+s11+$0x0] =	vst.idx.msk $0xffff, v9;
	v23 =	vadd.s32 v5, v10;
	v11 =	vld.idx.msk [tilespmem:v11+s25+$0x0], $0xffff  }
0x173: {  	s24 =	simm.s32 $0x7;
	v20 =	vor.u32 v4, v20;
	v54 =	vadd.s32 v5, v3;
	v56 =	vadd.s32 v7, v3;
	v27 =	vld.idx.msk [tilespmem:v27+s26+$0x0], $0xffff  }
0x174: {  	v60 =	vadd.s32 v6, v3;
	v9 =	vadd.s32 s24, v0;
	v14 =	vadd.s32 v6, v10;
	v21 =	vld.idx.msk [tilespmem:v21+s26+$0x0], $0xffff  }
0x175: {  	v51 =	vand.u32 $0x7E, v20;
	v52 =	vadd.s32 v7, v10;
	v55 =	vand.u32 $0x1F, v9;
	v24 =	vld.idx.msk [tilespmem:v24+s25+$0x0], $0xffff  }
0x176: {  	v26 =	vor.u32 v51, v2;
	v58 =	vadd.s32 v6, v55;
	v19 =	vadd.bf16 v19, v22;
	v22 =	vld.idx.msk [tilespmem:v50+s6+$0x0], $0xffff  }
0x177: {  	v53 =	vshll.u32 v10, $0x1;
	v10 =	vadd.s32 v7, v17;
	v16 =	vmul.bf16 v16, v1;
	v23 =	vld.idx.msk [tilespmem:v23+s6+$0x0], $0xffff  }
0x178: {  	v9 =	vadd.s32 v6, v17;
	v25 =	vld.idx.msk [tilespmem:v25+s6+$0x0], $0xffff;
	v57 =	vadd.s32 v5, v55;
	v59 =	vadd.s32 v7, v55  }
0x179: {  	v62 =	vshll.u32 v55, $0x1;
	v61 =	vld.idx.msk [tilespmem:v14+s25+$0x0], $0xffff;
	v14 =	vor.u32 v4, v53;
	v16 =	vadd.bf16 v19, v16  }
0x17a: {  	v28 =	vld.idx.msk [tilespmem:v52+s26+$0x0], $0xffff;
	v27 =	vadd.bf16 v27, v11;
	v11 =	vadd.s32 v5, v17;
	v21 =	vadd.bf16 v21, v24  }
0x17b: {  	[tilespmem:v18+s11+$0x0] =	vst.idx.msk $0xffff, v15;
	v18 =	vld.idx.msk [tilespmem:v58+s25+$0x0], $0xffff;
	v19 =	vunpack.i.l.bf16.f32 v16;
	v15 =	vunpack.i.u.bf16.f32 v16;
	v22 =	vmul.bf16 v22, v1  }
0x17c: {  	v16 =	vld.idx.msk [tilespmem:v56+s26+$0x0], $0xffff;
	v23 =	vmul.bf16 v23, v1;
	[tilespmem:v8+s11+$0x0] =	vst.idx.msk $0xffff, v19;
	v8 =	vshll.u32 v3, $0x1;
	v3 =	vshll.u32 v17, $0x1  }
0x17d: {  	v17 =	vld.idx.msk [tilespmem:v54+s6+$0x0], $0xffff;
	v22 =	vadd.bf16 v27, v22;
	v27 =	vor.u32 v4, v12;
	v12 =	vmul.bf16 v25, v1  }
0x17e: {  	[tilespmem:v13+s11+$0x0] =	vst.idx.msk $0xffff, v15;
	v13 =	vor.u32 v4, v8;
	v8 =	vor.u32 v4, v62;
	v15 =	vand.u32 $0x7E, v27  }
0x17f: {  	v19 =	vld.idx.msk [tilespmem:v59+s26+$0x0], $0xffff;
	v24 =	vunpack.i.l.bf16.f32 v22;
	v22 =	vunpack.i.u.bf16.f32 v22;
	v25 =	vadd.bf16 v21, v12  }
0x180: {  	v21 =	vor.u32 v15, v2;
	v15 =	vand.u32 $0x7E, v14;
	v12 =	vand.u32 $0x7E, v8;
	[tilespmem:v20+s11+$0x0] =	vst.idx.msk $0xffff, v24;
	v20 =	vld.idx.msk [tilespmem:v57+s6+$0x0], $0xffff  }
0x181: {  	v24 =	vadd.bf16 v28, v61;
	v12 =	vor.u32 v12, v2;
	[tilespmem:v26+s11+$0x0] =	vst.idx.msk $0xffff, v22;
	v63 =	vunpack.i.l.bf16.f32 v25  }
0x182: {  	s23 =	simm.s32 $0x8;
	s13 =	simm.s32 $0x4;
	v15 =	vor.u32 v15, v2;
	v22 =	vld.idx.msk [tilespmem:v60+s25+$0x0], $0xffff;
	v26 =	vand.u32 $0x7E, v13;
	v25 =	vunpack.i.u.bf16.f32 v25;
	[tilespmem:v27+s11+$0x0] =	vst.idx.msk $0xffff, v63  }
.LBB2_12:
0x183: {  	s0 =	sadd.s32 $0x1, s23  }
0x184: {  	s15 =	sadd.s32 $0x2, s23;
	v27 =	vadd.s32 s13, v0;
	v23 =	vadd.bf16 v24, v23;
	v24 =	vor.u32 v26, v2;
	s13 =	smov.u32 s23;
	s14 =	sadd.s32 $0x4, s23  }
0x185: {  	p0 =	slt.u32 s23, $0x1C;
	v17 =	vmul.bf16 v17, v1;
	v26 =	vadd.s32 s0, v0;
	v28 =	vadd.s32 s15, v0;
	[tilespmem:v21+s11+$0x0] =	vst.idx.msk $0xffff, v25  }
0x186: {  	s0 =	sadd.s32 $0x3, s13;
	v21 =	vand.u32 $0x1F, v27;
	v18 =	vadd.bf16 v19, v18;
	v25 =	vunpack.i.l.bf16.f32 v23  }
0x187: {  	v19 =	vand.u32 $0x1F, v26;
	v26 =	vadd.s32 s0, v0;
	v20 =	vmul.bf16 v20, v1;
	[tilespmem:v14+s11+$0x0] =	vst.idx.msk $0xffff, v25  }
0x188: {  	v27 =	vand.u32 $0x1F, v28;
	v14 =	vadd.s32 v5, v19;
	v25 =	vshll.u32 v19, $0x1  }
0x189: {  	v28 =	vadd.s32 v6, v19;
	v19 =	vadd.s32 v7, v19;
	v16 =	vadd.bf16 v16, v22;
	v29 =	vld.idx.msk [tilespmem:v10+s26+$0x0], $0xffff  }
0x18a: {  	v22 =	vand.u32 $0x1F, v26;
	v26 =	vadd.s32 v5, v21;
	v10 =	vadd.s32 v7, v27;
	v30 =	vld.idx.msk [tilespmem:v9+s25+$0x0], $0xffff  }
0x18b: {  	v31 =	vadd.s32 v5, v22;
	v16 =	vadd.bf16 v16, v17;
	v9 =	vadd.s32 v6, v27;
	v32 =	vld.idx.msk [tilespmem:v11+s6+$0x0], $0xffff  }
0x18c: {  	v34 =	vadd.s32 v7, v21;
	v33 =	vadd.s32 v6, v22;
	v11 =	vadd.s32 v5, v27  }
0x18d: {  	v37 =	vadd.s32 v6, v21;
	v36 =	vadd.s32 v7, v22;
	v17 =	vunpack.i.l.bf16.f32 v16;
	v35 =	vld.idx.msk [tilespmem:v14+s6+$0x0], $0xffff  }
0x18e: {  	v23 =	vunpack.i.u.bf16.f32 v23;
	v16 =	vunpack.i.u.bf16.f32 v16;
	v14 =	vor.u32 v4, v25;
	v28 =	vld.idx.msk [tilespmem:v28+s25+$0x0], $0xffff;
	[tilespmem:v13+s11+$0x0] =	vst.idx.msk $0xffff, v17  }
0x18f: {  	v22 =	vshll.u32 v22, $0x1;
	v13 =	vshll.u32 v21, $0x1;
	v25 =	vld.idx.msk [tilespmem:v19+s26+$0x0], $0xffff;
	v19 =	vadd.bf16 v18, v20;
	[tilespmem:v24+s11+$0x0] =	vst.idx.msk $0xffff, v16  }
0x190: {  	v38 =	vor.u32 v4, v3;
	v3 =	vshll.u32 v27, $0x1;
	v17 =	vld.idx.msk [tilespmem:v26+s6+$0x0], $0xffff;
	[tilespmem:v15+s11+$0x0] =	vst.idx.msk $0xffff, v23  }
0x191: {  	v20 =	vadd.bf16 v29, v30;
	v15 =	vmul.bf16 v32, v1;
	v16 =	vld.idx.msk [tilespmem:v34+s26+$0x0], $0xffff;
	v21 =	vunpack.i.l.bf16.f32 v19  }
.Ltmp6:
0x192: {  	v13 =	vor.u32 v4, v13;
	v23 =	vand.u32 $0x7E, v38;
	v24 =	vunpack.i.u.bf16.f32 v19;
	v18 =	vld.idx.msk [tilespmem:v33+s25+$0x0], $0xffff;
	[tilespmem:v8+s11+$0x0] =	vst.idx.msk $0xffff, v21;
	(pc) =	sbr.rel @p0 .LBB2_12-.Ltmp6, $4  }
0x193: {  	v8 =	vor.u32 v4, v22;
	v27 =	vadd.bf16 v20, v15;
	v21 =	vor.u32 v23, v2;
	v19 =	vld.idx.msk [tilespmem:v36+s26+$0x0], $0xffff  }
0x194: {  	v23 =	vmul.bf16 v35, v1;
	v15 =	vand.u32 $0x7E, v14;
	v22 =	vand.u32 $0x7E, v8;
	v20 =	vld.idx.msk [tilespmem:v31+s6+$0x0], $0xffff;
	[tilespmem:v12+s11+$0x0] =	vst.idx.msk $0xffff, v24  }
0x195: {  	v24 =	vadd.bf16 v25, v28;
	v12 =	vor.u32 v22, v2;
	v28 =	vunpack.i.l.bf16.f32 v27;
	v22 =	vld.idx.msk [tilespmem:v37+s25+$0x0], $0xffff  }
0x196: {  	s23 =	smov.u32 s14;
	v26 =	vand.u32 $0x7E, v13;
	v15 =	vor.u32 v15, v2;
	v25 =	vunpack.i.u.bf16.f32 v27;
	[tilespmem:v38+s11+$0x0] =	vst.idx.msk $0xffff, v28  }
0x197: {  	v27 =	vadd.s32 s13, v0  }
0x198: {  	v27 =	vand.u32 $0x1F, v27  }
0x199: {  	v5 =	vadd.s32 v5, v27  }
0x19a: {  	v7 =	vadd.s32 v7, v27  }
0x19b: {  	v10 =	vld.idx.msk [tilespmem:v10+s26+$0x0], $0xffff;
	v6 =	vadd.s32 v6, v27  }
0x19c: {  	v9 =	vld.idx.msk [tilespmem:v9+s25+$0x0], $0xffff  }
0x19d: {  	v11 =	vld.idx.msk [tilespmem:v11+s6+$0x0], $0xffff  }
0x19e: {  	v17 =	vmul.bf16 v17, v1;
	v47 =	vadd.bf16 v24, v23;
	v48 =	vor.u32 v26, v2;
	v5 =	vld.idx.msk [tilespmem:v5+s6+$0x0], $0xffff  }
0x19f: {  	v3 =	vor.u32 v4, v3;
	v18 =	vadd.bf16 v19, v18;
	v50 =	vmul.bf16 v20, v1;
	v7 =	vld.idx.msk [tilespmem:v7+s26+$0x0], $0xffff  }
0x1a0: {  	[tilespmem:v21+s11+$0x0] =	vst.idx.msk $0xffff, v25;
	v56 =	vand.u32 $0x7E, v3;
	v49 =	vunpack.i.l.bf16.f32 v47;
	v16 =	vadd.bf16 v16, v22;
	v6 =	vld.idx.msk [tilespmem:v6+s25+$0x0], $0xffff  }
0x1a1: {  	v52 =	vunpack.i.u.bf16.f32 v47;
	v54 =	vshll.u32 v27, $0x1;
	[tilespmem:v14+s11+$0x0] =	vst.idx.msk $0xffff, v49;
	v53 =	vadd.bf16 v18, v50  }
0x1a2: {  	v16 =	vadd.bf16 v16, v17;
	v11 =	vmul.bf16 v11, v1;
	v9 =	vadd.bf16 v10, v9  }
0x1a3: {  	v58 =	vor.u32 v56, v2;
	v57 =	vor.u32 v4, v54;
	[tilespmem:v15+s11+$0x0] =	vst.idx.msk $0xffff, v52;
	v55 =	vunpack.i.l.bf16.f32 v53  }
0x1a4: {  	v59 =	vand.u32 $0x7E, v57;
	v51 =	vunpack.i.l.bf16.f32 v16;
	v9 =	vadd.bf16 v9, v11;
	[tilespmem:v8+s11+$0x0] =	vst.idx.msk $0xffff, v55  }
0x1a5: {  	v61 =	vunpack.i.u.bf16.f32 v53;
	[tilespmem:v13+s11+$0x0] =	vst.idx.msk $0xffff, v51;
	v1 =	vmul.bf16 v5, v1;
	v60 =	vadd.bf16 v7, v6  }
0x1a6: {  	p0 =	slt.u32 s20, $0x8;
	v2 =	vor.u32 v59, v2;
	v16 =	vunpack.i.u.bf16.f32 v16;
	[tilespmem:v12+s11+$0x0] =	vst.idx.msk $0xffff, v61  }
.Ltmp7:
0x1a7: {  	[tilespmem:v48+s11+$0x0] =	vst.idx.msk $0xffff, v16;
	v62 =	vunpack.i.l.bf16.f32 v9;
	v1 =	vadd.bf16 v60, v1;
	(pc) =	sbr.rel @p0 .LBB2_9-.Ltmp7, $4  }
0x1a8: {  	v63 =	vunpack.i.u.bf16.f32 v9;
	[tilespmem:v3+s11+$0x0] =	vst.idx.msk $0xffff, v62  }
0x1a9: {  	[tilespmem:v58+s11+$0x0] =	vst.idx.msk $0xffff, v63;
	v3 =	vunpack.i.l.bf16.f32 v1  }
0x1aa: {  	s0 =	sadd.s32 $0x2, s20;
	v1 =	vunpack.i.u.bf16.f32 v1;
	[tilespmem:v57+s11+$0x0] =	vst.idx.msk $0xffff, v3  }
0x1ab: {  	s20 =	smov.u32 s0;
	[tilespmem:v2+s11+$0x0] =	vst.idx.msk $0xffff, v1  }
.Ltmp8:
0x1ac: {  	(pc) =	sbr.rel @p1 .LBB2_16-.Ltmp8, $4  }
0x1ad: {  	s0 =	sshll.u32 s18, $0x3  }
0x1ae: {  	s0 =	sand.u32 $0x1FFFFF00, s0  }
0x1af: {  	s0 =	sadd.s32 s5, s0  }
0x1b0: {  	[hbm4b:s0+s6] =	stream.linear.scatter [tilespmem:s11], [sflag:$0x4], $0x2800, $0x38;
	[tilespmem:$0x1E700] =	vst v63  }
0x1b1: {  	s0 =	sadd.s32 s17, s22  }
0x1b2: {  	s13 =	sshrl.u32 s0, $0x3  }
0x1b3: {  	s15 =	simm.s32 $0x18BA0;
	s0 =	smul.u32 $0x6, s0;
	s14 =	sadd.s32 s1, s13  }
0x1b4: {  	[tilespmem:s15], [sflag:$0x2] =	stream.linear.gather [hbm4b:s14+s6], $0xA0, $0x38;
	[tilespmem:$0x1E700] =	vst v63  }
0x1b5: {  	s0 =	sshrl.u32 s0, $0x3  }
0x1b6: {  	s0 =	sadd.s32 s7, s0  }
0x1b7: {  	[tilespmem:s4], [sflag:$0x2] =	stream.linear.gather [hbm4b:s0+s6], $0x3C0, $0x38;
	[tilespmem:$0x1E700] =	vst v63  }
.Ltmp9:
0x1b8: {  	_ = 	snop;
	(pc) =	sbr.rel .LBB2_2-.Ltmp9, $4  }
0x1b9: {  	s23 =	sadd.s32 s2, s13  }
0x1ba: {  	[tilespmem:s28], [sflag:$0x2] =	stream.linear.gather [hbm4b:s23+s6], $0xA0, $0x38;
	[tilespmem:$0x1E700] =	vst v63  }
0x1bb: {  	s16 =	sadd.s32 $0x1, s16;
	s24 =	sadd.s32 s3, s13  }
0x1bc: {  	[tilespmem:s30], [sflag:$0x2] =	stream.linear.gather [hbm4b:s24+s6], $0xA0, $0x38;
	[tilespmem:$0x1E700] =	vst v63  }
.LBB2_17:
0x1bd: {  	_ =	sfence.sel $0x180000  }
0x1be: {  	[bflag:$0x0] =	sbarrier.arrive $0xFFFF  }
0x1bf: {  	_ =	strace $0x90000047  }
0x1c0: {  	s0 =	stileid.u32;
	[bflag:$0x2] =	sbarrier.arrive $0xFFFF  }
0x1c1: {  	p0 =	sne.s32 s0, $0x0;
	s0 =	rddreg [dreg:$0x5]  }
0x1c2: {  	s0 =	sadd.s32 @!p0 $0x100000, s0  }
0x1c3: {  	[sflag:s0] =	ssyncadd.tile.s32 @!p0 $0x1;
	_ =	shalt  }
.Lfunc_end2:
_tile_overlayer_lowered:
.L_overlay_start_2:
0x1c4: {  	(tag) =	ssettag $0x2  }
0x1c5: {  	s0 =	rddreg [dreg:$0x0];
	s2 =	stileid.u32  }
0x1c6: {  	s1 =	rddreg [dreg:$0x1];
	p0 =	sne.s32 s2, $0x0  }
0x1c7: {  	s3 =	rddreg [dreg:$0x2];
	[bflag:$0x3] =	sbarrier.arrive $0xFFFF;
	s2 =	simm.s32 @!p0 $0x1C05  }
0x1c8: {  	[timem:s3], [sflag:s2] =	dma.local @!p0 [hbm:s0], s1  }
0x1c9: {  	s0 =	simm.s32 @!p0 $0x5  }
0x1ca: {  	_ =	swait.ge @!p0 [sflag:s0], s1  }
0x1cb: {  	s1 =	ssub.s32 @!p0 $0x0, s1;
	[sflag:s0] =	ssyncset.done @!p0 $0x0  }
0x1cc: {  	[sflag:s0] =	ssyncadd.s32 @!p0 s1  }
0x1cd: {  	[bflag:$0x3] =	sbarrier.arrive $0xFFFF  }
0x1ce: {  	_ =	shalt  }

// kernel: sparse-core-data-format-call.cloned.1.call-start
scs
called_computation_lowered:
.L_overlay_start_0:
0x0: {  	s2 =	sld [smem:$0x3FD9]  }
0x1: {  	s3 =	sld [smem:$0x3FFE];
	_ =	sdelay $0x1  }
0x2: {  	s1 =	srdreg.scid  }
0x3: {  	s0 =	sand.u32 $0x1, s1  }
0x4: {  	s18 =	sshll.u32 s0, $0xA;
	s2 =	sadd.s32 s3, s2  }
0x5: {  	s2 =	sadd.s32 s2, s18  }
0x6: {  	[smem:$0x3FC1] =	sst s2  }
0x7: {  	_ = 	snop  }
0x8: {  	s2 =	sld [smem:$0x3FD0];
	(tm) =	ssettm $0x1  }
0x9: {  	s19 =	sld [smem:$0x3FFB];
	_ =	sdelay $0x3  }
0xa: {  	_ =	strace s19  }
0xb: {  	s3 =	sld [smem:$0x3FFC];
	_ =	sdelay $0x3  }
0xc: {  	_ =	strace s3  }
0xd: {  	s3 =	sld [smem:$0x3FFD];
	_ =	sdelay $0x3  }
0xe: {  	_ =	strace s3  }
0xf: {  	_ =	strace $0x8FFFFFFF  }
0x10: {  	s20 =	sld [smem:$0x3FDB];
	_ =	sdelay $0x1  }
0x11: {  	s4 =	simm.s32 $_scs_section_size  }
0x12: {  	s5 =	simm.s32 $_size__tile_overlayer_lowered;
	s6 =	simm.s32 $_tile_overlayer_lowered  }
0x13: {  	s23 =	simm.s32 $0x1BFF;
	s22 =	sshll.u32 s6, $0x1;
	s3 =	sadd.s32 s4, s20  }
0x14: {  	s7 =	simm.s32 $0x0;
	s21 =	sshll.u32 s5, $0x1;
	s5 =	sadd.s32 s22, s3  }
0x15: {  	[timem:s7], [sflag:s23] =	dma.local [hbm:s5], s21  }
0x16: {  	_ =	swait.ge [sflag:s23], s21  }
0x17: {  	s4 =	ssub.s32 $0x0, s21;
	[sflag:s23] =	ssyncset.done $0x0  }
0x18: {  	[sflag:s23] =	ssyncadd.s32 s4;
	_ =	sdelay $0x1  }
0x19: {  	s24 =	simm.s32 $0x1B8B  }
0x1a: {  	_ =	swait.ge [sflag:s24], $0x1  }
0x1b: {  	[sflag:s24] =	ssyncset.done $0x0  }
0x1c: {  	s26 =	simm.s32 $0x1B8E;
	s25 =	sld [smem:$0x3FFE];
	[sflag:s24] =	ssyncadd.s32 $0xFFFFFFFF  }
0x1d: {  	s27 =	simm.s32 $execute0_lowered;
	[smem:$0x3FD2] =	sst s26  }
0x1e: {  	s5 =	sshll.u32 s27, $0x1;
	_ =	strace $0x80000049;
	[dreg:$0x1] =	wrdreg $0xFFFFFFFF  }
0x1f: {  	s28 =	simm.s32 $_size_execute0_lowered;
	s3 =	sadd.s32 s3, s5;
	[dreg:$0x0] =	wrdreg $0x0  }
0x20: {  	s5 =	sshll.u32 s28, $0x1;
	[dreg:$0x2] =	wrdreg s3  }
0x21: {  	[dreg:$0x3] =	wrdreg s5  }
0x22: {  	[dreg:$0x4] =	wrdreg $0xC0  }
0x23: {  	_ =	task [dreg:s7], $0x5FFFF  }
0x24: {  	[dreg:$0x1] =	wrdreg $0xFFFFFFFF  }
0x25: {  	[dreg:$0x0] =	wrdreg $0x60  }
0x26: {  	[dreg:$0x2] =	wrdreg s25  }
0x27: {  	[dreg:$0x3] =	wrdreg s2  }
0x28: {  	[dreg:$0x4] =	wrdreg $0x9  }
0x29: {  	_ =	task.clear_ibuf [dreg:s7], $0x5FFFF;
	_ =	strace $0x90000049  }
0x2a: {  	s29 =	simm.s32 $0x9;
	_ =	strace $0x8000004B  }
0x2b: {  	_ =	swait.ge [sflag:s29], $0x1  }
0x2c: {  	[sflag:s29] =	ssyncadd.s32 $0xFFFFFFFF  }
0x2d: {  	_ =	strace $0x9000004B  }
0x2e: {  	_ =	sfence  }
0x2f: {  	s30 =	sld [smem:$0x0];
	_ =	sdelay $0x2  }
0x30: {  	s31 =	sshll.u32 s1, $0xD;
	s1 =	sshrl.u32 s1, $0x2  }
0x31: {  	s3 =	sand.u32 $0x4000, s31;
	s1 =	sadd.s32 s1, s30  }
0x32: {  	s0 =	sor.u32 s3, s0;
	s1 =	sshll.u32 s1, $0x11  }
0x33: {  	s0 =	sor.u32 s1, s0  }
0x34: {  	s0 =	sadd.s32 $0x8F2B, s0  }
0x35: {  	[sflag:s0] =	ssyncadd.remote.s32 $0x1  }
0x36: {  	_ =	sfence.sel $0xFFFF  }
0x37: {  	[dreg:$0x0] =	wrdreg $0xFFFFFFFF;
	(pc) =	sbr.abs _section_cstart, $3  }
0x38: {  	[dreg:$0x1] =	wrdreg $0xFFFFFFFF  }
0x39: {  	_ =	task.clear_ibuf [dreg:s7], $0x2FFFF;
	_ =	strace $0x9FFFFFFF  }
0x3a: {  	(tm) =	ssettm $0x7FFFFFFF  }
0x3b: {  	_ =	shalt  }
tec
execute0_lowered:
.L_overlay_start_1:
0x0: {  	(tag) =	ssettag $0x1  }
0x1: {  	s0 =	srdreg.scid  }
0x2: {  	s1 =	sshll.u32 s0, $0x4  }
0x3: {  	s4 =	rddreg [dreg:$0x0];
	s0 =	stileid.u32;
	s1 =	sand.u32 $0x10, s1  }
0x4: {  	s2 =	rddreg [dreg:$0x1];
	s7 =	simm.s32 $0x1;
	s1 =	sor.u32 s0, s1  }
0x5: {  	s8 =	simm.s32 $0x2;
	s11 =	simm.s32 $0x0;
	s3 =	sshll.u32 s1, $0x7  }
0x6: {  	s10 =	simm.s32 $0x0;
	s4 =	sadd.s32 $0xE00, s4;
	s6 =	ssub.s32 $0xC8000, s3  }
.Ltmp0:
0x7: {  	s1 =	rddreg [dreg:$0x2];
	s5 =	sand.u32 $0xF80, s6;
	(pc) =	sbr.rel .LBB1_1-.Ltmp0, $4  }
0x8: {  	_ =	strace $0x8000004A;
	s9 =	smov.u32 s3;
	p0 =	sne.s32 s5, $0x0  }
0x9: {  	s6 =	sshrl.u32 s6, $0xC;
	s5 =	simm.s32 $0x1;
	s7 =	simm.s32 @!p0 $0x0  }
0xa: {  	[sflag:s5] =	ssyncpa.u1 $0x0;
	p0 =	por $0x0, $0x0;
	s6 =	sadd.s32 s7, s6  }
0xb: {  	[sflag:s8] =	ssyncpa.u1 $0x0;
	s8 =	simm.s32 $0x640000;
	s7 =	sadd.s32 $0x1, s6  }
.LBB1_4:
0xc: {  	s14 =	sshll.u32 s11, $0x3  }
0xd: {  	s30 =	sand.u32 $0x7F, s11;
	s15 =	sand.u32 $0xFFFFFC00, s14  }
0xe: {  	s11 =	sor.u32 s30, s15  }
0xf: {  	s15 =	smulhi.u32 $0x51EB851F, s11  }
0x10: {  	s14 =	smulhi.u32 $0x51EB851F, s14  }
0x11: {  	s15 =	sshrl.u32 s15, $0x12  }
0x12: {  	s14 =	sshrl.u32 s14, $0x12;
	s15 =	smul.u32 $0xC8000, s15  }
0x13: {  	s14 =	sand.u32 $0x3F, s14  }
0x14: {  	s14 =	smul.u32 $0x19000, s14;
	s11 =	ssub.s32 s11, s15  }
0x15: {  	[tilespmem:s13+$0x810 ss:$0x81] =	vst.msk $0xffff, v2;
	s15 =	sand.u32 $0x7, s11  }
0x16: {  	[tilespmem:s13+$0x1020 ss:$0x81] =	vst.msk $0xffff, v0;
	s14 =	sadd.s32 s2, s14;
	s11 =	sshrl.u32 s11, $0x3;
	s15 =	sshll.u32 s15, $0x12  }
0x17: {  	[tilespmem:s13+$0x0 ss:$0x81] =	vst.msk $0xffff, v1;
	s11 =	sadd.s32 s11, s14;
	s31 =	sor.u32 $0x400, s15  }
0x18: {  	[hbm4b:s11+s31] =	stream.strided.scatter [tilespmem:s12], [sflag:$0x2], $0x2000, s8, s31, $0x20;
	[tilespmem:$0x8080] =	vst v63  }
.LBB1_5:
0x19: {  	s13 =	sadd.s32 $0x1000, s9  }
0x1a: {  	p2 =	sgt.s32 s13, $0xC7FFF  }
0x1b: {  	s13 =	smov.u32 @p2 s3;
	p2 =	sne.s32 s10, s7  }
.Ltmp1:
0x1c: {  	p1 =	slt.u32 s10, $0x2;
	(pc) =	sbr.rel @!p2 .LBB1_6-.Ltmp1, $4  }
0x1d: {  	s12 =	simm.s32 @!p1 $0x2  }
0x1e: {  	s14 =	sadd.s32 $0x1, s10;
	_ =	swait.ge @!p1 [sflag:s12], $0x2000  }
0x1f: {  	s11 =	smov.u32 s9;
	p0 =	por !p0, !p0;
	[sflag:s12] =	ssyncset.done @!p1 $0x0  }
0x20: {  	s10 =	smov.u32 s14;
	s9 =	smov.u32 s13;
	[sflag:s12] =	ssyncadd.s32 @!p1 $0xFFFFE000  }
.LBB1_1:
0x21: {  	p1 =	sge.u32 s10, s6  }
0x22: {  	s12 =	sand.u32 @!p1 $0x1FFFFFF, s9  }
0x23: {  	s13 =	smulhi.u32 @!p1 $0x147AE15, s12;
	_ =	sdelay $0x1  }
0x24: {  	s13 =	sshrl.u32 @!p1 s13, $0xC  }
0x25: {  	s13 =	smul.u32 @!p1 $0xC8000, s13;
	_ =	sdelay $0x1  }
0x26: {  	s31 =	sadd.s32 $0xFFFFFFFF, s10;
	s14 =	sxor.u32 @!p1 $0xFFFFFFFF, s10;
	s12 =	ssub.s32 @!p1 s12, s13  }
0x27: {  	s15 =	simm.s32 @!p1 $0x80;
	s14 =	sshll.u32 @!p1 s14, $0xD;
	s12 =	sshll.u32 @!p1 s12, $0x4  }
0x28: {  	s13 =	sand.u32 @!p1 $0x2000, s14;
	s14 =	simm.s32 @!p1 $0x40;
	s12 =	sadd.s32 @!p1 s4, s12  }
0x29: {  	[tilespmem:s13], [sflag:$0x1] =	stream.strided.gather @!p1 [hbm4b:s12+s14], $0x2000, s15, s14, $0x38;
	[tilespmem:$0x8080] =	vst v63  }
0x2a: {  	p1 =	sge.u32 s31, s6  }
.Ltmp2:
0x2b: {  	_ = 	snop;
	(pc) =	sbr.rel @p1 .LBB1_5-.Ltmp2, $1  }
0x2c: {  	_ =	sdelay $0x3  }
0x2d: {  	s12 =	simm.s32 $0x1  }
0x2e: {  	_ =	swait.ge [sflag:s5], $0x2000;
	s12 =	simm.s32 @!p0 $0x0  }
0x2f: {  	[sflag:s5] =	ssyncset.done $0x0;
	s13 =	sshll.u32 s12, $0xD  }
0x30: {  	[sflag:s5] =	ssyncadd.s32 $0xFFFFE000;
	s16 =	sor.u32 $0x20, s13  }
0x31: {  	s12 =	smul.u32 $0x8100, s12;
	v3 =	vld [tilespmem:s16+$0x10]  }
0x32: {  	s30 =	sand.u32 $0x1, s10;
	v2 =	vld [tilespmem:s16+$0xFFFFFFF0]  }
0x33: {  	s13 =	smul.u32 $0x8100, s30;
	s12 =	sshrl.u32 s12, $0x2;
	v0 =	vld [tilespmem:s16+$0x0]  }
0x34: {  	v1 =	vld [tilespmem:s16+$0xFFFFFFE0];
	s14 =	sor.u32 $0x4000, s12  }
0x35: {  	s31 =	sshrl.u32 s13, $0x2;
	s13 =	sadd.s32 $0x0, s14  }
0x36: {  	s15 =	simm.s32 $0x4;
	s16 =	sadd.s32 $0x40, s16;
	s12 =	sor.u32 $0x4000, s31;
	[tilespmem:s13+$0x1830 ss:$0x81] =	vst.msk $0xffff, v3  }
.LBB1_3:
0x37: {  	v3 =	vld [tilespmem:s16+$0x10];
	p1 =	sne.s32 s15, $0x1FC;
	[tilespmem:s13+$0x810 ss:$0x81] =	vst.msk $0xffff, v2;
	s17 =	smov.u32 s15;
	s15 =	sadd.s32 $0x4, s15  }
.Ltmp3:
0x38: {  	v2 =	vld [tilespmem:s16+$0xFFFFFFF0];
	[tilespmem:s13+$0x1020 ss:$0x81] =	vst.msk $0xffff, v0;
	(pc) =	sbr.rel @p1 .LBB1_3-.Ltmp3, $4  }
0x39: {  	v0 =	vld [tilespmem:s16+$0x0];
	[tilespmem:s13+$0x0 ss:$0x81] =	vst.msk $0xffff, v1  }
0x3a: {  	s13 =	sshra.s32 s17, $0x2;
	v1 =	vld [tilespmem:s16+$0xFFFFFFE0]  }
0x3b: {  	s13 =	sadd.s32 s13, s14  }
0x3c: {  	s16 =	sadd.s32 $0x40, s16;
	[tilespmem:s13+$0x1830 ss:$0x81] =	vst.msk $0xffff, v3  }
.Ltmp4:
0x3d: {  	_ = 	snop;
	(pc) =	sbr.rel .LBB1_4-.Ltmp4, $1  }
0x3e: {  	_ =	sdelay $0x3  }
.LBB1_6:
0x3f: {  	_ =	sfence.sel $0x180000  }
0x40: {  	s2 =	simm.s32 $0x1;
	[bflag:$0x0] =	sbarrier.arrive $0xFFFF  }
0x41: {  	s31 =	simm.s32 $0x2;
	[sflag:s2] =	ssyncpa.u1 $0x1  }
0x42: {  	[sflag:s31] =	ssyncpa.u1 $0x1  }
0x43: {  	p0 =	sne.s32 s0, $0x0;
	_ =	strace $0x9000004A  }
0x44: {  	s0 =	sadd.s32 @!p0 $0x100000, s1;
	[bflag:$0x2] =	sbarrier.arrive $0xFFFF  }
0x45: {  	[sflag:s0] =	ssyncadd.tile.s32 @!p0 $0x1;
	_ =	shalt  }
.Lfunc_end1:
_tile_overlayer_lowered:
.L_overlay_start_2:
0x46: {  	(tag) =	ssettag $0x2  }
0x47: {  	s0 =	rddreg [dreg:$0x0];
	s2 =	stileid.u32  }
0x48: {  	s1 =	rddreg [dreg:$0x1];
	p0 =	sne.s32 s2, $0x0  }
0x49: {  	s3 =	rddreg [dreg:$0x2];
	[bflag:$0x3] =	sbarrier.arrive $0xFFFF;
	s2 =	simm.s32 @!p0 $0x1C01  }
0x4a: {  	[timem:s3], [sflag:s2] =	dma.local @!p0 [hbm:s0], s1  }
0x4b: {  	s0 =	simm.s32 @!p0 $0x1  }
0x4c: {  	_ =	swait.ge @!p0 [sflag:s0], s1  }
0x4d: {  	s1 =	ssub.s32 @!p0 $0x0, s1;
	[sflag:s0] =	ssyncset.done @!p0 $0x0  }
0x4e: {  	[sflag:s0] =	ssyncadd.s32 @!p0 s1  }
0x4f: {  	[bflag:$0x3] =	sbarrier.arrive $0xFFFF  }
0x50: {  	_ =	shalt  }

</sc_bundles>
